<compile_context>
chip_gen: v7x
topology: tpu7x:2x2x1
jax: 0.10.2.dev20260603
libtpu: 0.0.44.dev20260713+nightly
codegen_flags: <defaults>
</compile_context>

<pallas_src>
import functools

import jax
import jax.numpy as jnp
from jax import lax
from jax.experimental import pallas as pl
from jax.experimental.pallas import tpu as pltpu
from jax.experimental.pallas import tpu_sc as plsc

_NC = 2
_NS = 16


def _blend_kernel(S, BUF, Rb,
                  p_ref, kc_ref, kv_ref, ko_ref, kext_ref):
    j = pl.program_id(1)

    @pl.when(j == 0)
    def _fill():
        kext_ref[pl.ds(Rb, S), :] = kv_ref[0, 0, :, :]

    p = p_ref[0]
    base = (j * Rb - p) % BUF
    v0 = (base + Rb) % BUF - Rb
    v0 = jnp.clip(v0, -Rb, S)

    rows = lax.broadcasted_iota(jnp.int32, (Rb, 1), 0)
    idx = base + rows
    idx = jnp.where(idx >= BUF, idx - BUF, idx)
    mask = idx < S

    slab = kext_ref[pl.ds(Rb + v0, Rb), :]
    ko_ref[0, 0, :, :] = jnp.where(mask, slab, kc_ref[0, 0, :, :])


def _copy_top_kernel(vc_ref, vo_ref):
    vo_ref[...] = vc_ref[...]


def _sc_v_body(S, BUF, BUFSC, C,
               vo_ref, vc_ref, vv_ref, p_ref,
               rows_ref, idx_ref, pvmem_ref, sem):
    wid = lax.axis_index("s") * _NC + lax.axis_index("c")

    pltpu.sync_copy(p_ref, pvmem_ref)
    p = pvmem_ref[...][0]

    nch = BUFSC // C
    pltpu.make_async_copy(
        vc_ref.at[0, wid, pl.ds(0, C)], rows_ref.at[0], sem.at[0]).start()

    def copy_chunk(c, _):
        cur = lax.rem(c, 2)
        nxt = lax.rem(c + 1, 2)

        @pl.when(c + 1 < nch)
        def _():
            pltpu.make_async_copy(
                vc_ref.at[0, wid, pl.ds((c + 1) * C, C)],
                rows_ref.at[nxt], sem.at[nxt]).start()

        pltpu.make_async_copy(
            vc_ref.at[0, wid, pl.ds(c * C, C)], rows_ref.at[cur],
            sem.at[cur]).wait()
        pltpu.sync_copy(rows_ref.at[cur], vo_ref.at[0, wid, pl.ds(c * C, C)])
        return 0

    lax.fori_loop(0, nch, copy_chunk, 0)

    def build_idx(i, base):
        vec = base + lax.iota(jnp.int32, 16) + i * 16
        vec = jnp.where(vec >= BUF, vec - BUF, vec)
        idx_ref[pl.ds(i * 16, 16)] = vec
        return base

    for c in range(S // C):
        lax.fori_loop(0, C // 16, build_idx, p + c * C)
        pltpu.sync_copy(vv_ref.at[0, wid, pl.ds(c * C, C)], rows_ref.at[0])
        pltpu.async_copy(rows_ref.at[0], vo_ref.at[0, wid].at[idx_ref],
                         sem.at[0]).wait()


@jax.jit
def kernel(k_cache, v_cache, k_val, v_val, input_pos):
    B, H, BUF, D = k_cache.shape
    S = k_val.shape[2]
    Rb = 8192
    Rt = 4096
    BUFSC = 4096
    C = 256

    p = jnp.asarray(input_pos, jnp.int32).reshape((1,)) % BUF

    top_spec = pl.BlockSpec(
        (1, 1, Rt, D), lambda h, j: (0, h, BUFSC // Rt + j, 0))
    vp = pl.pallas_call(
        _copy_top_kernel,
        grid=(H, (BUF - BUFSC) // Rt),
        in_specs=[top_spec],
        out_specs=top_spec,
        out_shape=jax.ShapeDtypeStruct(v_cache.shape, v_cache.dtype),
        compiler_params=pltpu.CompilerParams(
            dimension_semantics=("arbitrary", "arbitrary"),
        ),
    )(v_cache)

    rv = jax.new_ref(vp)
    mesh = plsc.VectorSubcoreMesh(core_axis_name="c", subcore_axis_name="s")
    pl.kernel(
        functools.partial(_sc_v_body, S, BUF, BUFSC, C),
        mesh=mesh,
        scratch_types=[
            pltpu.VMEM((2, C, D), jnp.float32),
            pltpu.VMEM((C,), jnp.int32),
            pltpu.VMEM((16,), jnp.int32),
            pltpu.SemaphoreType.DMA((2,)),
        ],
    )(rv, v_cache, v_val, jnp.broadcast_to(p, (16,)))

    cache_spec = pl.BlockSpec((1, 1, Rb, D), lambda h, j, p_ref: (0, h, j, 0))
    val_spec = pl.BlockSpec((1, 1, S, D), lambda h, j, p_ref: (0, h, 0, 0))
    k_new = pl.pallas_call(
        functools.partial(_blend_kernel, S, BUF, Rb),
        grid_spec=pltpu.PrefetchScalarGridSpec(
            num_scalar_prefetch=1,
            grid=(H, BUF // Rb),
            in_specs=[cache_spec, val_spec],
            out_specs=cache_spec,
            scratch_shapes=[pltpu.VMEM((S + 2 * Rb, D), jnp.float32)],
        ),
        out_shape=jax.ShapeDtypeStruct(k_cache.shape, k_cache.dtype),
        compiler_params=pltpu.CompilerParams(
            dimension_semantics=("arbitrary", "arbitrary"),
        ),
    )(p, k_cache, k_val)

    return (k_new, jax.freeze(rv))

# --- scband reference (transcript-rebuilt; emitter-appended) ---
"""Pipeline reference for scband-ring-buffer-kvcache-75471165325702 (READ-ONLY COPY).

The authoritative reference and input builder live on the scoring server;
editing this copy changes nothing except your own understanding.
"""

import jax, jax.numpy as jnp
import numpy as np

B = 1
H = 32
D = 128
WINDOW = 8192
BUF = 2 * WINDOW
S = 2048
START = 15500


def setup_inputs(seed: int = 0) -> dict:
    key = jax.random.key(seed)
    k1, k2 = jax.random.split(key)
    return {
        "k_cache": jnp.zeros((B, H, BUF, D), dtype=jnp.float32),
        "v_cache": jnp.zeros((B, H, BUF, D), dtype=jnp.float32),
        "k_val": jax.random.normal(k1, (B, H, S, D), dtype=jnp.float32),
        "v_val": jax.random.normal(k2, (B, H, S, D), dtype=jnp.float32),
        "input_pos": START,
    }


def reference(k_cache, v_cache, k_val, v_val, input_pos):
    # Ring-buffer KV cache update: write slot = (start_pos + i) % buffer_size.
    # Mirrors torch.ops.mlx.kv_cache_update with ring_size=buffer_size,
    # then returns the full cache slices (as the torch module does).
    seq_len = k_val.shape[2]
    slots = (input_pos + jnp.arange(seq_len, dtype=jnp.int32)) % BUF
    # scatter-overwrite along the sequence axis of the BHSD cache
    k_new = k_cache.at[:, :, slots, :].set(k_val)
    v_new = v_cache.at[:, :, slots, :].set(v_val)
    return (k_new, v_new)

if __name__ == "__main__":
    import jax
    _d = setup_inputs()
    print(jax.jit(kernel)(*tuple(_d.values())))

</pallas_src>

<mosaic_0001>
#map = affine_map<(d0, d1) -> (0, 0, 0, 0)>
#map1 = affine_map<(d0, d1) -> (0)>
module attributes {stable_mosaic.version = 14 : i64} {
  func.func @new_body(%arg0: i32, %arg1: i32, %arg2: memref<1x32x16384x128xf32, #tpu.memory_space<hbm>>, %arg3: memref<1x32x16384x128xf32, #tpu.memory_space<hbm>>, %arg4: memref<1x32x2048x128xf32, #tpu.memory_space<hbm>>, %arg5: memref<16xi32, #tpu.memory_space<hbm>>, %arg6: memref<1x32x16384x128xf32, #tpu.memory_space<hbm>>, %arg7: memref<2x256x128xf32, #tpu.memory_space<vmem>>, %arg8: memref<256xi32, #tpu.memory_space<vmem>>, %arg9: memref<16xi32, #tpu.memory_space<vmem>>, %arg10: memref<2x!tpu.dma_semaphore, #tpu.memory_space<semaphore_mem>>) attributes {dimension_semantics = [#tpu.dimension_semantics<core_parallel>, #tpu.dimension_semantics<subcore_parallel>], iteration_bounds = array<i64: 2, 16>, scalar_prefetch = 0 : i64, scratch_operands = 4 : i64, tpu.core_type = #tpu.core_type<sc_vector_subcore>, window_params = [{transform_indices = #map}, {transform_indices = #map}, {transform_indices = #map}, {transform_indices = #map1}, {transform_indices = #map}]} {
    %mul3A = arith.constant 2 : i32
    %mul3A_0 = arith.muli %arg1, %mul3A : i32
    %add3A = arith.addi %mul3A_0, %arg0 : i32
    "tpu.region"() ({
      %run_scoped3A_355 = tpu.sem_alloc : memref<!tpu.dma_semaphore, #tpu.memory_space<semaphore_mem>>
      tpu.enqueue_dma source(%arg5 : memref<16xi32, #tpu.memory_space<hbm>>) target(%arg9 : memref<16xi32, #tpu.memory_space<vmem>>) target_semaphore(%run_scoped3A_355 : memref<!tpu.dma_semaphore, #tpu.memory_space<semaphore_mem>>)
      tpu.wait_dma2 semaphore(%run_scoped3A_355 : memref<!tpu.dma_semaphore, #tpu.memory_space<semaphore_mem>>) src(%arg5 : memref<16xi32, #tpu.memory_space<hbm>>) dst(%arg9 : memref<16xi32, #tpu.memory_space<vmem>>)
      tpu.yield
    }) : () -> ()
    %get3A = arith.constant 0 : index
    %get3A_1 = tpu.vector_load %arg9[%get3A] {strides = array<i32>} : memref<16xi32, #tpu.memory_space<vmem>>, vector<16xi32>,
    %get3A_2 = vector.shape_cast %get3A_1 : vector<16xi32> to vector<16xi32>
    %slice3A = vector.extract_strided_slice %get3A_2 {offsets = [0], sizes = [1], strides = [1]} : vector<16xi32> to vector<1xi32>
    %squeeze3A = vector.extract %slice3A[0] : i32 from vector<1xi32>
    %dma_start3A = arith.constant 0 : i32
    %dma_start3A_3 = arith.constant 0 : i32
    %dma_start3A_4 = arith.constant 0 : i32
    %dma_start3A_5 = arith.constant 0 : i32
    %dma_start3A_6 = arith.constant 0 : i32
    %dma_start3A_7 = tpu.memref_slice %arg7[%dma_start3A_3, %dma_start3A_5, %dma_start3A_6] : memref<2x256x128xf32, #tpu.memory_space<vmem>> -> memref<1x256x128xf32, #tpu.memory_space<vmem>>
    %dma_start3A_8 = tpu.memref_squeeze %dma_start3A_7 : memref<1x256x128xf32, #tpu.memory_space<vmem>> -> memref<256x128xf32, #tpu.memory_space<vmem>>
    %dma_start3A_9 = arith.constant 0 : i32
    %dma_start3A_10 = arith.constant 0 : i32
    %dma_start3A_11 = tpu.memref_slice %arg3[%dma_start3A, %add3A, %dma_start3A_9, %dma_start3A_10] : memref<1x32x16384x128xf32, #tpu.memory_space<hbm>> -> memref<1x1x256x128xf32, #tpu.memory_space<hbm>>
    %dma_start3A_12 = tpu.memref_squeeze %dma_start3A_11 : memref<1x1x256x128xf32, #tpu.memory_space<hbm>> -> memref<256x128xf32, #tpu.memory_space<hbm>>
    %dma_start3A_13 = tpu.memref_slice %arg10[%dma_start3A_4] : memref<2x!tpu.dma_semaphore, #tpu.memory_space<semaphore_mem>> -> memref<1x!tpu.dma_semaphore, #tpu.memory_space<semaphore_mem>>
    %dma_start3A_14 = tpu.memref_squeeze %dma_start3A_13 : memref<1x!tpu.dma_semaphore, #tpu.memory_space<semaphore_mem>> -> memref<!tpu.dma_semaphore, #tpu.memory_space<semaphore_mem>>
    %dma_start3A_15 = arith.constant 0 : i32
    %dma_start3A_16 = arith.constant 0 : i32
    %dma_start3A_17 = tpu.memref_slice %arg7[%dma_start3A_3, %dma_start3A_15, %dma_start3A_16] : memref<2x256x128xf32, #tpu.memory_space<vmem>> -> memref<1x256x128xf32, #tpu.memory_space<vmem>>
    %dma_start3A_18 = tpu.memref_squeeze %dma_start3A_17 : memref<1x256x128xf32, #tpu.memory_space<vmem>> -> memref<256x128xf32, #tpu.memory_space<vmem>>
    %dma_start3A_19 = arith.constant 0 : i32
    %dma_start3A_20 = arith.constant 0 : i32
    %dma_start3A_21 = tpu.memref_slice %arg3[%dma_start3A, %add3A, %dma_start3A_19, %dma_start3A_20] : memref<1x32x16384x128xf32, #tpu.memory_space<hbm>> -> memref<1x1x256x128xf32, #tpu.memory_space<hbm>>
    %dma_start3A_22 = tpu.memref_squeeze %dma_start3A_21 : memref<1x1x256x128xf32, #tpu.memory_space<hbm>> -> memref<256x128xf32, #tpu.memory_space<hbm>>
    tpu.enqueue_dma source(%dma_start3A_22 : memref<256x128xf32, #tpu.memory_space<hbm>>) target(%dma_start3A_18 : memref<256x128xf32, #tpu.memory_space<vmem>>) target_semaphore(%dma_start3A_14 : memref<!tpu.dma_semaphore, #tpu.memory_space<semaphore_mem>>)
    %scan3A = arith.constant 0 : i32
    %scan3A_23 = arith.constant 0 : i32
    %scan3A_24 = arith.constant 16 : i32
    %scan3A_25 = arith.addi %scan3A_23, %scan3A_24 : i32
    %scan3A_26 = arith.constant 1 : i32
    %scan3A_27 = scf.for %scan3A_355 = %scan3A_23 to %scan3A_25 step %scan3A_26 iter_args(%scan3A_356 = %scan3A) -> (i32)  : i32 {
      %rem3A = arith.constant 2 : i32
      %rem3A_357 = arith.remsi %scan3A_355, %rem3A : i32
      %add3A_358 = arith.constant 1 : i32
      %add3A_359 = arith.addi %scan3A_355, %add3A_358 : i32
      %rem3A_360 = arith.constant 2 : i32
      %rem3A_361 = arith.remsi %add3A_359, %rem3A_360 : i32
      %add3A_362 = arith.constant 1 : i32
      %add3A_363 = arith.addi %scan3A_355, %add3A_362 : i32
      %lt3A = arith.constant 16 : i32
      %lt3A_364 = arith.cmpi slt, %add3A_363, %lt3A : i32
      %convert_element_type3A = arith.extui %lt3A_364 : i1 to i32
      %cond3A = arith.constant 0 : i32
      %cond3A_365 = arith.cmpi ne, %convert_element_type3A, %cond3A : i32
      scf.if %cond3A_365 {
        %add3A_389 = arith.constant 1 : i32
        %add3A_390 = arith.addi %scan3A_355, %add3A_389 : i32
        %mul3A_391 = arith.constant 256 : i32
        %mul3A_392 = arith.muli %add3A_390, %mul3A_391 : i32
        %dma_start3A_393 = arith.constant 0 : i32
        %dma_start3A_394 = arith.constant 0 : i32
        %dma_start3A_395 = arith.constant 0 : i32
        %dma_start3A_396 = tpu.memref_slice %arg7[%rem3A_361, %dma_start3A_394, %dma_start3A_395] : memref<2x256x128xf32, #tpu.memory_space<vmem>> -> memref<1x256x128xf32, #tpu.memory_space<vmem>>
        %dma_start3A_397 = tpu.memref_squeeze %dma_start3A_396 : memref<1x256x128xf32, #tpu.memory_space<vmem>> -> memref<256x128xf32, #tpu.memory_space<vmem>>
        %dma_start3A_398 = arith.constant 0 : i32
        %dma_start3A_399 = tpu.memref_slice %arg3[%dma_start3A_393, %add3A, %mul3A_392, %dma_start3A_398] : memref<1x32x16384x128xf32, #tpu.memory_space<hbm>> -> memref<1x1x256x128xf32, #tpu.memory_space<hbm>>
        %dma_start3A_400 = tpu.memref_squeeze %dma_start3A_399 : memref<1x1x256x128xf32, #tpu.memory_space<hbm>> -> memref<256x128xf32, #tpu.memory_space<hbm>>
        %dma_start3A_401 = tpu.memref_slice %arg10[%rem3A_361] : memref<2x!tpu.dma_semaphore, #tpu.memory_space<semaphore_mem>> -> memref<1x!tpu.dma_semaphore, #tpu.memory_space<semaphore_mem>>
        %dma_start3A_402 = tpu.memref_squeeze %dma_start3A_401 : memref<1x!tpu.dma_semaphore, #tpu.memory_space<semaphore_mem>> -> memref<!tpu.dma_semaphore, #tpu.memory_space<semaphore_mem>>
        %dma_start3A_403 = arith.constant 0 : i32
        %dma_start3A_404 = arith.constant 0 : i32
        %dma_start3A_405 = tpu.memref_slice %arg7[%rem3A_361, %dma_start3A_403, %dma_start3A_404] : memref<2x256x128xf32, #tpu.memory_space<vmem>> -> memref<1x256x128xf32, #tpu.memory_space<vmem>>
        %dma_start3A_406 = tpu.memref_squeeze %dma_start3A_405 : memref<1x256x128xf32, #tpu.memory_space<vmem>> -> memref<256x128xf32, #tpu.memory_space<vmem>>
        %dma_start3A_407 = arith.constant 0 : i32
        %dma_start3A_408 = tpu.memref_slice %arg3[%dma_start3A_393, %add3A, %mul3A_392, %dma_start3A_407] : memref<1x32x16384x128xf32, #tpu.memory_space<hbm>> -> memref<1x1x256x128xf32, #tpu.memory_space<hbm>>
        %dma_start3A_409 = tpu.memref_squeeze %dma_start3A_408 : memref<1x1x256x128xf32, #tpu.memory_space<hbm>> -> memref<256x128xf32, #tpu.memory_space<hbm>>
        tpu.enqueue_dma source(%dma_start3A_409 : memref<256x128xf32, #tpu.memory_space<hbm>>) target(%dma_start3A_406 : memref<256x128xf32, #tpu.memory_space<vmem>>) target_semaphore(%dma_start3A_402 : memref<!tpu.dma_semaphore, #tpu.memory_space<semaphore_mem>>)
      } else {
      }
      %mul3A_366 = arith.constant 256 : i32
      %mul3A_367 = arith.muli %scan3A_355, %mul3A_366 : i32
      %dma_wait3A_368 = arith.constant 0 : i32
      %dma_wait3A_369 = arith.constant 0 : i32
      %dma_wait3A_370 = arith.constant 0 : i32
      %dma_wait3A_371 = tpu.memref_slice %arg7[%rem3A_357, %dma_wait3A_369, %dma_wait3A_370] : memref<2x256x128xf32, #tpu.memory_space<vmem>> -> memref<1x256x128xf32, #tpu.memory_space<vmem>>
      %dma_wait3A_372 = tpu.memref_squeeze %dma_wait3A_371 : memref<1x256x128xf32, #tpu.memory_space<vmem>> -> memref<256x128xf32, #tpu.memory_space<vmem>>
      %dma_wait3A_373 = arith.constant 0 : i32
      %dma_wait3A_374 = tpu.memref_slice %arg3[%dma_wait3A_368, %add3A, %mul3A_367, %dma_wait3A_373] : memref<1x32x16384x128xf32, #tpu.memory_space<hbm>> -> memref<1x1x256x128xf32, #tpu.memory_space<hbm>>
      %dma_wait3A_375 = tpu.memref_squeeze %dma_wait3A_374 : memref<1x1x256x128xf32, #tpu.memory_space<hbm>> -> memref<256x128xf32, #tpu.memory_space<hbm>>
      %dma_wait3A_376 = tpu.memref_slice %arg10[%rem3A_357] : memref<2x!tpu.dma_semaphore, #tpu.memory_space<semaphore_mem>> -> memref<1x!tpu.dma_semaphore, #tpu.memory_space<semaphore_mem>>
      %dma_wait3A_377 = tpu.memref_squeeze %dma_wait3A_376 : memref<1x!tpu.dma_semaphore, #tpu.memory_space<semaphore_mem>> -> memref<!tpu.dma_semaphore, #tpu.memory_space<semaphore_mem>>
      %dma_wait3A_378 = arith.constant 0 : i32
      %dma_wait3A_379 = arith.constant 0 : i32
      %dma_wait3A_380 = tpu.memref_slice %arg7[%rem3A_357, %dma_wait3A_378, %dma_wait3A_379] : memref<2x256x128xf32, #tpu.memory_space<vmem>> -> memref<1x256x128xf32, #tpu.memory_space<vmem>>
      %dma_wait3A_381 = tpu.memref_squeeze %dma_wait3A_380 : memref<1x256x128xf32, #tpu.memory_space<vmem>> -> memref<256x128xf32, #tpu.memory_space<vmem>>
      %dma_wait3A_382 = arith.constant 0 : i32
      %dma_wait3A_383 = tpu.memref_slice %arg3[%dma_wait3A_368, %add3A, %mul3A_367, %dma_wait3A_382] : memref<1x32x16384x128xf32, #tpu.memory_space<hbm>> -> memref<1x1x256x128xf32, #tpu.memory_space<hbm>>
      %dma_wait3A_384 = tpu.memref_squeeze %dma_wait3A_383 : memref<1x1x256x128xf32, #tpu.memory_space<hbm>> -> memref<256x128xf32, #tpu.memory_space<hbm>>
      tpu.wait_dma2 semaphore(%dma_wait3A_377 : memref<!tpu.dma_semaphore, #tpu.memory_space<semaphore_mem>>) src(%dma_wait3A_384 : memref<256x128xf32, #tpu.memory_space<hbm>>) dst(%dma_wait3A_381 : memref<256x128xf32, #tpu.memory_space<vmem>>)
      %mul3A_385 = arith.constant 256 : i32
      %mul3A_386 = arith.muli %scan3A_355, %mul3A_385 : i32
      %run_scoped3A_387 = arith.constant 0 : i32
      "tpu.region"() ({
        %run_scoped3A_389 = tpu.sem_alloc : memref<!tpu.dma_semaphore, #tpu.memory_space<semaphore_mem>>
        %dma_start3A_390 = arith.constant 0 : i32
        %dma_start3A_391 = arith.constant 0 : i32
        %dma_start3A_392 = tpu.memref_slice %arg7[%rem3A_357, %dma_start3A_390, %dma_start3A_391] : memref<2x256x128xf32, #tpu.memory_space<vmem>> -> memref<1x256x128xf32, #tpu.memory_space<vmem>>
        %dma_start3A_393 = tpu.memref_squeeze %dma_start3A_392 : memref<1x256x128xf32, #tpu.memory_space<vmem>> -> memref<256x128xf32, #tpu.memory_space<vmem>>
        %dma_start3A_394 = arith.constant 0 : i32
        %dma_start3A_395 = tpu.memref_slice %arg2[%run_scoped3A_387, %add3A, %mul3A_386, %dma_start3A_394] : memref<1x32x16384x128xf32, #tpu.memory_space<hbm>> -> memref<1x1x256x128xf32, #tpu.memory_space<hbm>>
        %dma_start3A_396 = tpu.memref_squeeze %dma_start3A_395 : memref<1x1x256x128xf32, #tpu.memory_space<hbm>> -> memref<256x128xf32, #tpu.memory_space<hbm>>
        %dma_start3A_397 = arith.constant 0 : i32
        %dma_start3A_398 = tpu.memref_slice %arg2[%run_scoped3A_387, %add3A, %mul3A_386, %dma_start3A_397] : memref<1x32x16384x128xf32, #tpu.memory_space<hbm>> -> memref<1x1x256x128xf32, #tpu.memory_space<hbm>>
        %dma_start3A_399 = tpu.memref_squeeze %dma_start3A_398 : memref<1x1x256x128xf32, #tpu.memory_space<hbm>> -> memref<256x128xf32, #tpu.memory_space<hbm>>
        %dma_start3A_400 = arith.constant 0 : i32
        %dma_start3A_401 = arith.constant 0 : i32
        %dma_start3A_402 = tpu.memref_slice %arg7[%rem3A_357, %dma_start3A_400, %dma_start3A_401] : memref<2x256x128xf32, #tpu.memory_space<vmem>> -> memref<1x256x128xf32, #tpu.memory_space<vmem>>
        %dma_start3A_403 = tpu.memref_squeeze %dma_start3A_402 : memref<1x256x128xf32, #tpu.memory_space<vmem>> -> memref<256x128xf32, #tpu.memory_space<vmem>>
        tpu.enqueue_dma source(%dma_start3A_403 : memref<256x128xf32, #tpu.memory_space<vmem>>) target(%dma_start3A_399 : memref<256x128xf32, #tpu.memory_space<hbm>>) target_semaphore(%run_scoped3A_389 : memref<!tpu.dma_semaphore, #tpu.memory_space<semaphore_mem>>)
        %dma_wait3A_404 = arith.constant 0 : i32
        %dma_wait3A_405 = arith.constant 0 : i32
        %dma_wait3A_406 = tpu.memref_slice %arg7[%rem3A_357, %dma_wait3A_404, %dma_wait3A_405] : memref<2x256x128xf32, #tpu.memory_space<vmem>> -> memref<1x256x128xf32, #tpu.memory_space<vmem>>
        %dma_wait3A_407 = tpu.memref_squeeze %dma_wait3A_406 : memref<1x256x128xf32, #tpu.memory_space<vmem>> -> memref<256x128xf32, #tpu.memory_space<vmem>>
        %dma_wait3A_408 = arith.constant 0 : i32
        %dma_wait3A_409 = tpu.memref_slice %arg2[%run_scoped3A_387, %add3A, %mul3A_386, %dma_wait3A_408] : memref<1x32x16384x128xf32, #tpu.memory_space<hbm>> -> memref<1x1x256x128xf32, #tpu.memory_space<hbm>>
        %dma_wait3A_410 = tpu.memref_squeeze %dma_wait3A_409 : memref<1x1x256x128xf32, #tpu.memory_space<hbm>> -> memref<256x128xf32, #tpu.memory_space<hbm>>
        %dma_wait3A_411 = arith.constant 0 : i32
        %dma_wait3A_412 = tpu.memref_slice %arg2[%run_scoped3A_387, %add3A, %mul3A_386, %dma_wait3A_411] : memref<1x32x16384x128xf32, #tpu.memory_space<hbm>> -> memref<1x1x256x128xf32, #tpu.memory_space<hbm>>
        %dma_wait3A_413 = tpu.memref_squeeze %dma_wait3A_412 : memref<1x1x256x128xf32, #tpu.memory_space<hbm>> -> memref<256x128xf32, #tpu.memory_space<hbm>>
        %dma_wait3A_414 = arith.constant 0 : i32
        %dma_wait3A_415 = arith.constant 0 : i32
        %dma_wait3A_416 = tpu.memref_slice %arg7[%rem3A_357, %dma_wait3A_414, %dma_wait3A_415] : memref<2x256x128xf32, #tpu.memory_space<vmem>> -> memref<1x256x128xf32, #tpu.memory_space<vmem>>
        %dma_wait3A_417 = tpu.memref_squeeze %dma_wait3A_416 : memref<1x256x128xf32, #tpu.memory_space<vmem>> -> memref<256x128xf32, #tpu.memory_space<vmem>>
        tpu.wait_dma2 semaphore(%run_scoped3A_389 : memref<!tpu.dma_semaphore, #tpu.memory_space<semaphore_mem>>) src(%dma_wait3A_417 : memref<256x128xf32, #tpu.memory_space<vmem>>) dst(%dma_wait3A_413 : memref<256x128xf32, #tpu.memory_space<hbm>>)
        tpu.yield
      }) : () -> ()
      %scan3A_388 = arith.constant 0 : i32
      scf.yield %scan3A_388 : i32
    }
    %scan3A_28 = arith.constant 16 : i32
    %add3A_29 = arith.constant 0 : i32
    %add3A_30 = arith.addi %squeeze3A, %add3A_29 : i32
    %scan3A_31 = arith.constant 0 : i32
    %scan3A_32 = arith.constant 16 : i32
    %scan3A_33 = arith.addi %scan3A_31, %scan3A_32 : i32
    %scan3A_34 = arith.constant 1 : i32
    scf.for %scan3A_355 = %scan3A_31 to %scan3A_33 step %scan3A_34  : i32 {
      %iota3A = tpu.iota {dimensions = array<i32: 0>} : vector<16xi32>
      %add3A_356 = vector.broadcast %add3A_30 : i32 to vector<16xi32>
      %add3A_357 = arith.addi %add3A_356, %iota3A : vector<16xi32>
      %mul3A_358 = arith.constant 16 : i32
      %mul3A_359 = arith.muli %scan3A_355, %mul3A_358 : i32
      %add3A_360 = vector.broadcast %mul3A_359 : i32 to vector<16xi32>
      %add3A_361 = arith.addi %add3A_357, %add3A_360 : vector<16xi32>
      %ge3A = arith.constant 16384 : i32
      %ge3A_362 = vector.broadcast %ge3A : i32 to vector<16xi32>
      %ge3A_363 = arith.cmpi sge, %add3A_361, %ge3A_362 : vector<16xi32>
      %sub3A = arith.constant 16384 : i32
      %sub3A_364 = vector.broadcast %sub3A : i32 to vector<16xi32>
      %sub3A_365 = arith.subi %add3A_361, %sub3A_364 : vector<16xi32>
      %select_n3A = arith.select %ge3A_363, %sub3A_365, %add3A_361 : vector<16xi1>, vector<16xi32>
      %mul3A_366 = arith.constant 16 : i32
      %mul3A_367 = arith.muli %scan3A_355, %mul3A_366 : i32
      %swap3A = arith.index_cast %mul3A_367 : i32 to index
      %swap3A_368 = tpu.vector_load %arg8[%swap3A] {strides = array<i32>} : memref<256xi32, #tpu.memory_space<vmem>>, vector<16xi32>,
      %swap3A_369 = vector.shape_cast %swap3A_368 : vector<16xi32> to vector<16xi32>
      %swap3A_370 = vector.shape_cast %select_n3A : vector<16xi32> to vector<16xi32>
      tpu.vector_store %arg8[%swap3A], %swap3A_370 {strides = array<i32>} : memref<256xi32, #tpu.memory_space<vmem>>, vector<16xi32>,
    }
    %scan3A_35 = arith.constant 16 : i32
    %run_scoped3A = arith.constant 0 : i32
    %run_scoped3A_36 = arith.constant 0 : i32
    "tpu.region"() ({
      %run_scoped3A_355 = tpu.sem_alloc : memref<!tpu.dma_semaphore, #tpu.memory_space<semaphore_mem>>
      %dma_start3A_356 = arith.constant 0 : i32
      %dma_start3A_357 = arith.constant 0 : i32
      %dma_start3A_358 = tpu.memref_slice %arg7[%run_scoped3A_36, %dma_start3A_356, %dma_start3A_357] : memref<2x256x128xf32, #tpu.memory_space<vmem>> -> memref<1x256x128xf32, #tpu.memory_space<vmem>>
      %dma_start3A_359 = tpu.memref_squeeze %dma_start3A_358 : memref<1x256x128xf32, #tpu.memory_space<vmem>> -> memref<256x128xf32, #tpu.memory_space<vmem>>
      %dma_start3A_360 = arith.constant 0 : i32
      %dma_start3A_361 = arith.constant 0 : i32
      %dma_start3A_362 = tpu.memref_slice %arg4[%run_scoped3A, %add3A, %dma_start3A_360, %dma_start3A_361] : memref<1x32x2048x128xf32, #tpu.memory_space<hbm>> -> memref<1x1x256x128xf32, #tpu.memory_space<hbm>>
      %dma_start3A_363 = tpu.memref_squeeze %dma_start3A_362 : memref<1x1x256x128xf32, #tpu.memory_space<hbm>> -> memref<256x128xf32, #tpu.memory_space<hbm>>
      %dma_start3A_364 = arith.constant 0 : i32
      %dma_start3A_365 = arith.constant 0 : i32
      %dma_start3A_366 = tpu.memref_slice %arg7[%run_scoped3A_36, %dma_start3A_364, %dma_start3A_365] : memref<2x256x128xf32, #tpu.memory_space<vmem>> -> memref<1x256x128xf32, #tpu.memory_space<vmem>>
      %dma_start3A_367 = tpu.memref_squeeze %dma_start3A_366 : memref<1x256x128xf32, #tpu.memory_space<vmem>> -> memref<256x128xf32, #tpu.memory_space<vmem>>
      %dma_start3A_368 = arith.constant 0 : i32
      %dma_start3A_369 = arith.constant 0 : i32
      %dma_start3A_370 = tpu.memref_slice %arg4[%run_scoped3A, %add3A, %dma_start3A_368, %dma_start3A_369] : memref<1x32x2048x128xf32, #tpu.memory_space<hbm>> -> memref<1x1x256x128xf32, #tpu.memory_space<hbm>>
      %dma_start3A_371 = tpu.memref_squeeze %dma_start3A_370 : memref<1x1x256x128xf32, #tpu.memory_space<hbm>> -> memref<256x128xf32, #tpu.memory_space<hbm>>
      tpu.enqueue_dma source(%dma_start3A_371 : memref<256x128xf32, #tpu.memory_space<hbm>>) target(%dma_start3A_367 : memref<256x128xf32, #tpu.memory_space<vmem>>) target_semaphore(%run_scoped3A_355 : memref<!tpu.dma_semaphore, #tpu.memory_space<semaphore_mem>>)
      %dma_wait3A_372 = arith.constant 0 : i32
      %dma_wait3A_373 = arith.constant 0 : i32
      %dma_wait3A_374 = tpu.memref_slice %arg7[%run_scoped3A_36, %dma_wait3A_372, %dma_wait3A_373] : memref<2x256x128xf32, #tpu.memory_space<vmem>> -> memref<1x256x128xf32, #tpu.memory_space<vmem>>
      %dma_wait3A_375 = tpu.memref_squeeze %dma_wait3A_374 : memref<1x256x128xf32, #tpu.memory_space<vmem>> -> memref<256x128xf32, #tpu.memory_space<vmem>>
      %dma_wait3A_376 = arith.constant 0 : i32
      %dma_wait3A_377 = arith.constant 0 : i32
      %dma_wait3A_378 = tpu.memref_slice %arg4[%run_scoped3A, %add3A, %dma_wait3A_376, %dma_wait3A_377] : memref<1x32x2048x128xf32, #tpu.memory_space<hbm>> -> memref<1x1x256x128xf32, #tpu.memory_space<hbm>>
      %dma_wait3A_379 = tpu.memref_squeeze %dma_wait3A_378 : memref<1x1x256x128xf32, #tpu.memory_space<hbm>> -> memref<256x128xf32, #tpu.memory_space<hbm>>
      %dma_wait3A_380 = arith.constant 0 : i32
      %dma_wait3A_381 = arith.constant 0 : i32
      %dma_wait3A_382 = tpu.memref_slice %arg7[%run_scoped3A_36, %dma_wait3A_380, %dma_wait3A_381] : memref<2x256x128xf32, #tpu.memory_space<vmem>> -> memref<1x256x128xf32, #tpu.memory_space<vmem>>
      %dma_wait3A_383 = tpu.memref_squeeze %dma_wait3A_382 : memref<1x256x128xf32, #tpu.memory_space<vmem>> -> memref<256x128xf32, #tpu.memory_space<vmem>>
      %dma_wait3A_384 = arith.constant 0 : i32
      %dma_wait3A_385 = arith.constant 0 : i32
      %dma_wait3A_386 = tpu.memref_slice %arg4[%run_scoped3A, %add3A, %dma_wait3A_384, %dma_wait3A_385] : memref<1x32x2048x128xf32, #tpu.memory_space<hbm>> -> memref<1x1x256x128xf32, #tpu.memory_space<hbm>>
      %dma_wait3A_387 = tpu.memref_squeeze %dma_wait3A_386 : memref<1x1x256x128xf32, #tpu.memory_space<hbm>> -> memref<256x128xf32, #tpu.memory_space<hbm>>
      tpu.wait_dma2 semaphore(%run_scoped3A_355 : memref<!tpu.dma_semaphore, #tpu.memory_space<semaphore_mem>>) src(%dma_wait3A_387 : memref<256x128xf32, #tpu.memory_space<hbm>>) dst(%dma_wait3A_383 : memref<256x128xf32, #tpu.memory_space<vmem>>)
      tpu.yield
    }) : () -> ()
    %dma_start3A_37 = arith.constant 0 : i32
    %dma_start3A_38 = arith.constant 0 : i32
    %dma_start3A_39 = arith.constant 0 : i32
    %dma_start3A_40 = arith.constant 0 : i32
    %dma_start3A_41 = arith.constant 0 : i32
    %dma_start3A_42 = tpu.memref_slice %arg7[%dma_start3A_37, %dma_start3A_40, %dma_start3A_41] : memref<2x256x128xf32, #tpu.memory_space<vmem>> -> memref<1x256x128xf32, #tpu.memory_space<vmem>>
    %dma_start3A_43 = tpu.memref_squeeze %dma_start3A_42 : memref<1x256x128xf32, #tpu.memory_space<vmem>> -> memref<256x128xf32, #tpu.memory_space<vmem>>
    %dma_start3A_44 = arith.constant 0 : i32
    %dma_start3A_45 = arith.constant 0 : i32
    %dma_start3A_46 = tpu.memref_slice %arg2[%dma_start3A_38, %add3A, %dma_start3A_44, %dma_start3A_45] : memref<1x32x16384x128xf32, #tpu.memory_space<hbm>> -> memref<1x1x16384x128xf32, #tpu.memory_space<hbm>>
    %dma_start3A_47 = tpu.memref_squeeze %dma_start3A_46 : memref<1x1x16384x128xf32, #tpu.memory_space<hbm>> -> memref<16384x128xf32, #tpu.memory_space<hbm>>
    %dma_start3A_48 = arith.constant 0 : i32
    %dma_start3A_49 = arith.constant 0 : i32
    %dma_start3A_50 = tpu.memref_slice %dma_start3A_47[%dma_start3A_48, %dma_start3A_49] : memref<16384x128xf32, #tpu.memory_space<hbm>> -> memref<16384x128xf32, #tpu.memory_space<hbm>>
    %dma_start3A_51 = tpu.memref_slice %arg10[%dma_start3A_39] : memref<2x!tpu.dma_semaphore, #tpu.memory_space<semaphore_mem>> -> memref<1x!tpu.dma_semaphore, #tpu.memory_space<semaphore_mem>>
    %dma_start3A_52 = tpu.memref_squeeze %dma_start3A_51 : memref<1x!tpu.dma_semaphore, #tpu.memory_space<semaphore_mem>> -> memref<!tpu.dma_semaphore, #tpu.memory_space<semaphore_mem>>
    tpu.enqueue_indirect_dma source(%dma_start3A_43 : memref<256x128xf32, #tpu.memory_space<vmem>>) target(%dma_start3A_50 : memref<16384x128xf32, #tpu.memory_space<hbm>>) offsets(%arg8 : memref<256xi32, #tpu.memory_space<vmem>>) semaphore(%dma_start3A_52 : memref<!tpu.dma_semaphore, #tpu.memory_space<semaphore_mem>>)
    %dma_wait3A = arith.constant 0 : i32
    %dma_wait3A_53 = arith.constant 0 : i32
    %dma_wait3A_54 = arith.constant 0 : i32
    %dma_wait3A_55 = arith.constant 0 : i32
    %dma_wait3A_56 = arith.constant 0 : i32
    %dma_wait3A_57 = tpu.memref_slice %arg7[%dma_wait3A, %dma_wait3A_55, %dma_wait3A_56] : memref<2x256x128xf32, #tpu.memory_space<vmem>> -> memref<1x256x128xf32, #tpu.memory_space<vmem>>
    %dma_wait3A_58 = tpu.memref_squeeze %dma_wait3A_57 : memref<1x256x128xf32, #tpu.memory_space<vmem>> -> memref<256x128xf32, #tpu.memory_space<vmem>>
    %dma_wait3A_59 = arith.constant 0 : i32
    %dma_wait3A_60 = arith.constant 0 : i32
    %dma_wait3A_61 = tpu.memref_slice %arg2[%dma_wait3A_53, %add3A, %dma_wait3A_59, %dma_wait3A_60] : memref<1x32x16384x128xf32, #tpu.memory_space<hbm>> -> memref<1x1x16384x128xf32, #tpu.memory_space<hbm>>
    %dma_wait3A_62 = tpu.memref_squeeze %dma_wait3A_61 : memref<1x1x16384x128xf32, #tpu.memory_space<hbm>> -> memref<16384x128xf32, #tpu.memory_space<hbm>>
    %dma_wait3A_63 = arith.constant 0 : i32
    %dma_wait3A_64 = arith.constant 0 : i32
    %dma_wait3A_65 = tpu.memref_slice %dma_wait3A_62[%dma_wait3A_63, %dma_wait3A_64] : memref<16384x128xf32, #tpu.memory_space<hbm>> -> memref<16384x128xf32, #tpu.memory_space<hbm>>
    %dma_wait3A_66 = tpu.memref_slice %arg10[%dma_wait3A_54] : memref<2x!tpu.dma_semaphore, #tpu.memory_space<semaphore_mem>> -> memref<1x!tpu.dma_semaphore, #tpu.memory_space<semaphore_mem>>
    %dma_wait3A_67 = tpu.memref_squeeze %dma_wait3A_66 : memref<1x!tpu.dma_semaphore, #tpu.memory_space<semaphore_mem>> -> memref<!tpu.dma_semaphore, #tpu.memory_space<semaphore_mem>>
    tpu.wait_indirect_dma semaphore(%dma_wait3A_67 : memref<!tpu.dma_semaphore, #tpu.memory_space<semaphore_mem>>) src(%dma_wait3A_58 : memref<256x128xf32, #tpu.memory_space<vmem>>) dst(%dma_wait3A_65 : memref<16384x128xf32, #tpu.memory_space<hbm>>)
    %add3A_68 = arith.constant 256 : i32
    %add3A_69 = arith.addi %squeeze3A, %add3A_68 : i32
    %scan3A_70 = arith.constant 0 : i32
    %scan3A_71 = arith.constant 16 : i32
    %scan3A_72 = arith.addi %scan3A_70, %scan3A_71 : i32
    %scan3A_73 = arith.constant 1 : i32
    scf.for %scan3A_355 = %scan3A_70 to %scan3A_72 step %scan3A_73  : i32 {
      %iota3A = tpu.iota {dimensions = array<i32: 0>} : vector<16xi32>
      %add3A_356 = vector.broadcast %add3A_69 : i32 to vector<16xi32>
      %add3A_357 = arith.addi %add3A_356, %iota3A : vector<16xi32>
      %mul3A_358 = arith.constant 16 : i32
      %mul3A_359 = arith.muli %scan3A_355, %mul3A_358 : i32
      %add3A_360 = vector.broadcast %mul3A_359 : i32 to vector<16xi32>
      %add3A_361 = arith.addi %add3A_357, %add3A_360 : vector<16xi32>
      %ge3A = arith.constant 16384 : i32
      %ge3A_362 = vector.broadcast %ge3A : i32 to vector<16xi32>
      %ge3A_363 = arith.cmpi sge, %add3A_361, %ge3A_362 : vector<16xi32>
      %sub3A = arith.constant 16384 : i32
      %sub3A_364 = vector.broadcast %sub3A : i32 to vector<16xi32>
      %sub3A_365 = arith.subi %add3A_361, %sub3A_364 : vector<16xi32>
      %select_n3A = arith.select %ge3A_363, %sub3A_365, %add3A_361 : vector<16xi1>, vector<16xi32>
      %mul3A_366 = arith.constant 16 : i32
      %mul3A_367 = arith.muli %scan3A_355, %mul3A_366 : i32
      %swap3A = arith.index_cast %mul3A_367 : i32 to index
      %swap3A_368 = tpu.vector_load %arg8[%swap3A] {strides = array<i32>} : memref<256xi32, #tpu.memory_space<vmem>>, vector<16xi32>,
      %swap3A_369 = vector.shape_cast %swap3A_368 : vector<16xi32> to vector<16xi32>
      %swap3A_370 = vector.shape_cast %select_n3A : vector<16xi32> to vector<16xi32>
      tpu.vector_store %arg8[%swap3A], %swap3A_370 {strides = array<i32>} : memref<256xi32, #tpu.memory_space<vmem>>, vector<16xi32>,
    }
    %scan3A_74 = arith.constant 16 : i32
    %run_scoped3A_75 = arith.constant 0 : i32
    %run_scoped3A_76 = arith.constant 0 : i32
    "tpu.region"() ({
      %run_scoped3A_355 = tpu.sem_alloc : memref<!tpu.dma_semaphore, #tpu.memory_space<semaphore_mem>>
      %dma_start3A_356 = arith.constant 0 : i32
      %dma_start3A_357 = arith.constant 0 : i32
      %dma_start3A_358 = tpu.memref_slice %arg7[%run_scoped3A_76, %dma_start3A_356, %dma_start3A_357] : memref<2x256x128xf32, #tpu.memory_space<vmem>> -> memref<1x256x128xf32, #tpu.memory_space<vmem>>
      %dma_start3A_359 = tpu.memref_squeeze %dma_start3A_358 : memref<1x256x128xf32, #tpu.memory_space<vmem>> -> memref<256x128xf32, #tpu.memory_space<vmem>>
      %dma_start3A_360 = arith.constant 256 : i32
      %dma_start3A_361 = arith.constant 0 : i32
      %dma_start3A_362 = tpu.memref_slice %arg4[%run_scoped3A_75, %add3A, %dma_start3A_360, %dma_start3A_361] : memref<1x32x2048x128xf32, #tpu.memory_space<hbm>> -> memref<1x1x256x128xf32, #tpu.memory_space<hbm>>
      %dma_start3A_363 = tpu.memref_squeeze %dma_start3A_362 : memref<1x1x256x128xf32, #tpu.memory_space<hbm>> -> memref<256x128xf32, #tpu.memory_space<hbm>>
      %dma_start3A_364 = arith.constant 0 : i32
      %dma_start3A_365 = arith.constant 0 : i32
      %dma_start3A_366 = tpu.memref_slice %arg7[%run_scoped3A_76, %dma_start3A_364, %dma_start3A_365] : memref<2x256x128xf32, #tpu.memory_space<vmem>> -> memref<1x256x128xf32, #tpu.memory_space<vmem>>
      %dma_start3A_367 = tpu.memref_squeeze %dma_start3A_366 : memref<1x256x128xf32, #tpu.memory_space<vmem>> -> memref<256x128xf32, #tpu.memory_space<vmem>>
      %dma_start3A_368 = arith.constant 256 : i32
      %dma_start3A_369 = arith.constant 0 : i32
      %dma_start3A_370 = tpu.memref_slice %arg4[%run_scoped3A_75, %add3A, %dma_start3A_368, %dma_start3A_369] : memref<1x32x2048x128xf32, #tpu.memory_space<hbm>> -> memref<1x1x256x128xf32, #tpu.memory_space<hbm>>
      %dma_start3A_371 = tpu.memref_squeeze %dma_start3A_370 : memref<1x1x256x128xf32, #tpu.memory_space<hbm>> -> memref<256x128xf32, #tpu.memory_space<hbm>>
      tpu.enqueue_dma source(%dma_start3A_371 : memref<256x128xf32, #tpu.memory_space<hbm>>) target(%dma_start3A_367 : memref<256x128xf32, #tpu.memory_space<vmem>>) target_semaphore(%run_scoped3A_355 : memref<!tpu.dma_semaphore, #tpu.memory_space<semaphore_mem>>)
      %dma_wait3A_372 = arith.constant 0 : i32
      %dma_wait3A_373 = arith.constant 0 : i32
      %dma_wait3A_374 = tpu.memref_slice %arg7[%run_scoped3A_76, %dma_wait3A_372, %dma_wait3A_373] : memref<2x256x128xf32, #tpu.memory_space<vmem>> -> memref<1x256x128xf32, #tpu.memory_space<vmem>>
      %dma_wait3A_375 = tpu.memref_squeeze %dma_wait3A_374 : memref<1x256x128xf32, #tpu.memory_space<vmem>> -> memref<256x128xf32, #tpu.memory_space<vmem>>
      %dma_wait3A_376 = arith.constant 256 : i32
      %dma_wait3A_377 = arith.constant 0 : i32
      %dma_wait3A_378 = tpu.memref_slice %arg4[%run_scoped3A_75, %add3A, %dma_wait3A_376, %dma_wait3A_377] : memref<1x32x2048x128xf32, #tpu.memory_space<hbm>> -> memref<1x1x256x128xf32, #tpu.memory_space<hbm>>
      %dma_wait3A_379 = tpu.memref_squeeze %dma_wait3A_378 : memref<1x1x256x128xf32, #tpu.memory_space<hbm>> -> memref<256x128xf32, #tpu.memory_space<hbm>>
      %dma_wait3A_380 = arith.constant 0 : i32
      %dma_wait3A_381 = arith.constant 0 : i32
      %dma_wait3A_382 = tpu.memref_slice %arg7[%run_scoped3A_76, %dma_wait3A_380, %dma_wait3A_381] : memref<2x256x128xf32, #tpu.memory_space<vmem>> -> memref<1x256x128xf32, #tpu.memory_space<vmem>>
      %dma_wait3A_383 = tpu.memref_squeeze %dma_wait3A_382 : memref<1x256x128xf32, #tpu.memory_space<vmem>> -> memref<256x128xf32, #tpu.memory_space<vmem>>
      %dma_wait3A_384 = arith.constant 256 : i32
      %dma_wait3A_385 = arith.constant 0 : i32
      %dma_wait3A_386 = tpu.memref_slice %arg4[%run_scoped3A_75, %add3A, %dma_wait3A_384, %dma_wait3A_385] : memref<1x32x2048x128xf32, #tpu.memory_space<hbm>> -> memref<1x1x256x128xf32, #tpu.memory_space<hbm>>
      %dma_wait3A_387 = tpu.memref_squeeze %dma_wait3A_386 : memref<1x1x256x128xf32, #tpu.memory_space<hbm>> -> memref<256x128xf32, #tpu.memory_space<hbm>>
      tpu.wait_dma2 semaphore(%run_scoped3A_355 : memref<!tpu.dma_semaphore, #tpu.memory_space<semaphore_mem>>) src(%dma_wait3A_387 : memref<256x128xf32, #tpu.memory_space<hbm>>) dst(%dma_wait3A_383 : memref<256x128xf32, #tpu.memory_space<vmem>>)
      tpu.yield
    }) : () -> ()
    %dma_start3A_77 = arith.constant 0 : i32
    %dma_start3A_78 = arith.constant 0 : i32
    %dma_start3A_79 = arith.constant 0 : i32
    %dma_start3A_80 = arith.constant 0 : i32
    %dma_start3A_81 = arith.constant 0 : i32
    %dma_start3A_82 = tpu.memref_slice %arg7[%dma_start3A_77, %dma_start3A_80, %dma_start3A_81] : memref<2x256x128xf32, #tpu.memory_space<vmem>> -> memref<1x256x128xf32, #tpu.memory_space<vmem>>
    %dma_start3A_83 = tpu.memref_squeeze %dma_start3A_82 : memref<1x256x128xf32, #tpu.memory_space<vmem>> -> memref<256x128xf32, #tpu.memory_space<vmem>>
    %dma_start3A_84 = arith.constant 0 : i32
    %dma_start3A_85 = arith.constant 0 : i32
    %dma_start3A_86 = tpu.memref_slice %arg2[%dma_start3A_78, %add3A, %dma_start3A_84, %dma_start3A_85] : memref<1x32x16384x128xf32, #tpu.memory_space<hbm>> -> memref<1x1x16384x128xf32, #tpu.memory_space<hbm>>
    %dma_start3A_87 = tpu.memref_squeeze %dma_start3A_86 : memref<1x1x16384x128xf32, #tpu.memory_space<hbm>> -> memref<16384x128xf32, #tpu.memory_space<hbm>>
    %dma_start3A_88 = arith.constant 0 : i32
    %dma_start3A_89 = arith.constant 0 : i32
    %dma_start3A_90 = tpu.memref_slice %dma_start3A_87[%dma_start3A_88, %dma_start3A_89] : memref<16384x128xf32, #tpu.memory_space<hbm>> -> memref<16384x128xf32, #tpu.memory_space<hbm>>
    %dma_start3A_91 = tpu.memref_slice %arg10[%dma_start3A_79] : memref<2x!tpu.dma_semaphore, #tpu.memory_space<semaphore_mem>> -> memref<1x!tpu.dma_semaphore, #tpu.memory_space<semaphore_mem>>
    %dma_start3A_92 = tpu.memref_squeeze %dma_start3A_91 : memref<1x!tpu.dma_semaphore, #tpu.memory_space<semaphore_mem>> -> memref<!tpu.dma_semaphore, #tpu.memory_space<semaphore_mem>>
    tpu.enqueue_indirect_dma source(%dma_start3A_83 : memref<256x128xf32, #tpu.memory_space<vmem>>) target(%dma_start3A_90 : memref<16384x128xf32, #tpu.memory_space<hbm>>) offsets(%arg8 : memref<256xi32, #tpu.memory_space<vmem>>) semaphore(%dma_start3A_92 : memref<!tpu.dma_semaphore, #tpu.memory_space<semaphore_mem>>)
    %dma_wait3A_93 = arith.constant 0 : i32
    %dma_wait3A_94 = arith.constant 0 : i32
    %dma_wait3A_95 = arith.constant 0 : i32
    %dma_wait3A_96 = arith.constant 0 : i32
    %dma_wait3A_97 = arith.constant 0 : i32
    %dma_wait3A_98 = tpu.memref_slice %arg7[%dma_wait3A_93, %dma_wait3A_96, %dma_wait3A_97] : memref<2x256x128xf32, #tpu.memory_space<vmem>> -> memref<1x256x128xf32, #tpu.memory_space<vmem>>
    %dma_wait3A_99 = tpu.memref_squeeze %dma_wait3A_98 : memref<1x256x128xf32, #tpu.memory_space<vmem>> -> memref<256x128xf32, #tpu.memory_space<vmem>>
    %dma_wait3A_100 = arith.constant 0 : i32
    %dma_wait3A_101 = arith.constant 0 : i32
    %dma_wait3A_102 = tpu.memref_slice %arg2[%dma_wait3A_94, %add3A, %dma_wait3A_100, %dma_wait3A_101] : memref<1x32x16384x128xf32, #tpu.memory_space<hbm>> -> memref<1x1x16384x128xf32, #tpu.memory_space<hbm>>
    %dma_wait3A_103 = tpu.memref_squeeze %dma_wait3A_102 : memref<1x1x16384x128xf32, #tpu.memory_space<hbm>> -> memref<16384x128xf32, #tpu.memory_space<hbm>>
    %dma_wait3A_104 = arith.constant 0 : i32
    %dma_wait3A_105 = arith.constant 0 : i32
    %dma_wait3A_106 = tpu.memref_slice %dma_wait3A_103[%dma_wait3A_104, %dma_wait3A_105] : memref<16384x128xf32, #tpu.memory_space<hbm>> -> memref<16384x128xf32, #tpu.memory_space<hbm>>
    %dma_wait3A_107 = tpu.memref_slice %arg10[%dma_wait3A_95] : memref<2x!tpu.dma_semaphore, #tpu.memory_space<semaphore_mem>> -> memref<1x!tpu.dma_semaphore, #tpu.memory_space<semaphore_mem>>
    %dma_wait3A_108 = tpu.memref_squeeze %dma_wait3A_107 : memref<1x!tpu.dma_semaphore, #tpu.memory_space<semaphore_mem>> -> memref<!tpu.dma_semaphore, #tpu.memory_space<semaphore_mem>>
    tpu.wait_indirect_dma semaphore(%dma_wait3A_108 : memref<!tpu.dma_semaphore, #tpu.memory_space<semaphore_mem>>) src(%dma_wait3A_99 : memref<256x128xf32, #tpu.memory_space<vmem>>) dst(%dma_wait3A_106 : memref<16384x128xf32, #tpu.memory_space<hbm>>)
    %add3A_109 = arith.constant 512 : i32
    %add3A_110 = arith.addi %squeeze3A, %add3A_109 : i32
    %scan3A_111 = arith.constant 0 : i32
    %scan3A_112 = arith.constant 16 : i32
    %scan3A_113 = arith.addi %scan3A_111, %scan3A_112 : i32
    %scan3A_114 = arith.constant 1 : i32
    scf.for %scan3A_355 = %scan3A_111 to %scan3A_113 step %scan3A_114  : i32 {
      %iota3A = tpu.iota {dimensions = array<i32: 0>} : vector<16xi32>
      %add3A_356 = vector.broadcast %add3A_110 : i32 to vector<16xi32>
      %add3A_357 = arith.addi %add3A_356, %iota3A : vector<16xi32>
      %mul3A_358 = arith.constant 16 : i32
      %mul3A_359 = arith.muli %scan3A_355, %mul3A_358 : i32
      %add3A_360 = vector.broadcast %mul3A_359 : i32 to vector<16xi32>
      %add3A_361 = arith.addi %add3A_357, %add3A_360 : vector<16xi32>
      %ge3A = arith.constant 16384 : i32
      %ge3A_362 = vector.broadcast %ge3A : i32 to vector<16xi32>
      %ge3A_363 = arith.cmpi sge, %add3A_361, %ge3A_362 : vector<16xi32>
      %sub3A = arith.constant 16384 : i32
      %sub3A_364 = vector.broadcast %sub3A : i32 to vector<16xi32>
      %sub3A_365 = arith.subi %add3A_361, %sub3A_364 : vector<16xi32>
      %select_n3A = arith.select %ge3A_363, %sub3A_365, %add3A_361 : vector<16xi1>, vector<16xi32>
      %mul3A_366 = arith.constant 16 : i32
      %mul3A_367 = arith.muli %scan3A_355, %mul3A_366 : i32
      %swap3A = arith.index_cast %mul3A_367 : i32 to index
      %swap3A_368 = tpu.vector_load %arg8[%swap3A] {strides = array<i32>} : memref<256xi32, #tpu.memory_space<vmem>>, vector<16xi32>,
      %swap3A_369 = vector.shape_cast %swap3A_368 : vector<16xi32> to vector<16xi32>
      %swap3A_370 = vector.shape_cast %select_n3A : vector<16xi32> to vector<16xi32>
      tpu.vector_store %arg8[%swap3A], %swap3A_370 {strides = array<i32>} : memref<256xi32, #tpu.memory_space<vmem>>, vector<16xi32>,
    }
    %scan3A_115 = arith.constant 16 : i32
    %run_scoped3A_116 = arith.constant 0 : i32
    %run_scoped3A_117 = arith.constant 0 : i32
    "tpu.region"() ({
      %run_scoped3A_355 = tpu.sem_alloc : memref<!tpu.dma_semaphore, #tpu.memory_space<semaphore_mem>>
      %dma_start3A_356 = arith.constant 0 : i32
      %dma_start3A_357 = arith.constant 0 : i32
      %dma_start3A_358 = tpu.memref_slice %arg7[%run_scoped3A_117, %dma_start3A_356, %dma_start3A_357] : memref<2x256x128xf32, #tpu.memory_space<vmem>> -> memref<1x256x128xf32, #tpu.memory_space<vmem>>
      %dma_start3A_359 = tpu.memref_squeeze %dma_start3A_358 : memref<1x256x128xf32, #tpu.memory_space<vmem>> -> memref<256x128xf32, #tpu.memory_space<vmem>>
      %dma_start3A_360 = arith.constant 512 : i32
      %dma_start3A_361 = arith.constant 0 : i32
      %dma_start3A_362 = tpu.memref_slice %arg4[%run_scoped3A_116, %add3A, %dma_start3A_360, %dma_start3A_361] : memref<1x32x2048x128xf32, #tpu.memory_space<hbm>> -> memref<1x1x256x128xf32, #tpu.memory_space<hbm>>
      %dma_start3A_363 = tpu.memref_squeeze %dma_start3A_362 : memref<1x1x256x128xf32, #tpu.memory_space<hbm>> -> memref<256x128xf32, #tpu.memory_space<hbm>>
      %dma_start3A_364 = arith.constant 0 : i32
      %dma_start3A_365 = arith.constant 0 : i32
      %dma_start3A_366 = tpu.memref_slice %arg7[%run_scoped3A_117, %dma_start3A_364, %dma_start3A_365] : memref<2x256x128xf32, #tpu.memory_space<vmem>> -> memref<1x256x128xf32, #tpu.memory_space<vmem>>
      %dma_start3A_367 = tpu.memref_squeeze %dma_start3A_366 : memref<1x256x128xf32, #tpu.memory_space<vmem>> -> memref<256x128xf32, #tpu.memory_space<vmem>>
      %dma_start3A_368 = arith.constant 512 : i32
      %dma_start3A_369 = arith.constant 0 : i32
      %dma_start3A_370 = tpu.memref_slice %arg4[%run_scoped3A_116, %add3A, %dma_start3A_368, %dma_start3A_369] : memref<1x32x2048x128xf32, #tpu.memory_space<hbm>> -> memref<1x1x256x128xf32, #tpu.memory_space<hbm>>
      %dma_start3A_371 = tpu.memref_squeeze %dma_start3A_370 : memref<1x1x256x128xf32, #tpu.memory_space<hbm>> -> memref<256x128xf32, #tpu.memory_space<hbm>>
      tpu.enqueue_dma source(%dma_start3A_371 : memref<256x128xf32, #tpu.memory_space<hbm>>) target(%dma_start3A_367 : memref<256x128xf32, #tpu.memory_space<vmem>>) target_semaphore(%run_scoped3A_355 : memref<!tpu.dma_semaphore, #tpu.memory_space<semaphore_mem>>)
      %dma_wait3A_372 = arith.constant 0 : i32
      %dma_wait3A_373 = arith.constant 0 : i32
      %dma_wait3A_374 = tpu.memref_slice %arg7[%run_scoped3A_117, %dma_wait3A_372, %dma_wait3A_373] : memref<2x256x128xf32, #tpu.memory_space<vmem>> -> memref<1x256x128xf32, #tpu.memory_space<vmem>>
      %dma_wait3A_375 = tpu.memref_squeeze %dma_wait3A_374 : memref<1x256x128xf32, #tpu.memory_space<vmem>> -> memref<256x128xf32, #tpu.memory_space<vmem>>
      %dma_wait3A_376 = arith.constant 512 : i32
      %dma_wait3A_377 = arith.constant 0 : i32
      %dma_wait3A_378 = tpu.memref_slice %arg4[%run_scoped3A_116, %add3A, %dma_wait3A_376, %dma_wait3A_377] : memref<1x32x2048x128xf32, #tpu.memory_space<hbm>> -> memref<1x1x256x128xf32, #tpu.memory_space<hbm>>
      %dma_wait3A_379 = tpu.memref_squeeze %dma_wait3A_378 : memref<1x1x256x128xf32, #tpu.memory_space<hbm>> -> memref<256x128xf32, #tpu.memory_space<hbm>>
      %dma_wait3A_380 = arith.constant 0 : i32
      %dma_wait3A_381 = arith.constant 0 : i32
      %dma_wait3A_382 = tpu.memref_slice %arg7[%run_scoped3A_117, %dma_wait3A_380, %dma_wait3A_381] : memref<2x256x128xf32, #tpu.memory_space<vmem>> -> memref<1x256x128xf32, #tpu.memory_space<vmem>>
      %dma_wait3A_383 = tpu.memref_squeeze %dma_wait3A_382 : memref<1x256x128xf32, #tpu.memory_space<vmem>> -> memref<256x128xf32, #tpu.memory_space<vmem>>
      %dma_wait3A_384 = arith.constant 512 : i32
      %dma_wait3A_385 = arith.constant 0 : i32
      %dma_wait3A_386 = tpu.memref_slice %arg4[%run_scoped3A_116, %add3A, %dma_wait3A_384, %dma_wait3A_385] : memref<1x32x2048x128xf32, #tpu.memory_space<hbm>> -> memref<1x1x256x128xf32, #tpu.memory_space<hbm>>
      %dma_wait3A_387 = tpu.memref_squeeze %dma_wait3A_386 : memref<1x1x256x128xf32, #tpu.memory_space<hbm>> -> memref<256x128xf32, #tpu.memory_space<hbm>>
      tpu.wait_dma2 semaphore(%run_scoped3A_355 : memref<!tpu.dma_semaphore, #tpu.memory_space<semaphore_mem>>) src(%dma_wait3A_387 : memref<256x128xf32, #tpu.memory_space<hbm>>) dst(%dma_wait3A_383 : memref<256x128xf32, #tpu.memory_space<vmem>>)
      tpu.yield
    }) : () -> ()
    %dma_start3A_118 = arith.constant 0 : i32
    %dma_start3A_119 = arith.constant 0 : i32
    %dma_start3A_120 = arith.constant 0 : i32
    %dma_start3A_121 = arith.constant 0 : i32
    %dma_start3A_122 = arith.constant 0 : i32
    %dma_start3A_123 = tpu.memref_slice %arg7[%dma_start3A_118, %dma_start3A_121, %dma_start3A_122] : memref<2x256x128xf32, #tpu.memory_space<vmem>> -> memref<1x256x128xf32, #tpu.memory_space<vmem>>
    %dma_start3A_124 = tpu.memref_squeeze %dma_start3A_123 : memref<1x256x128xf32, #tpu.memory_space<vmem>> -> memref<256x128xf32, #tpu.memory_space<vmem>>
    %dma_start3A_125 = arith.constant 0 : i32
    %dma_start3A_126 = arith.constant 0 : i32
    %dma_start3A_127 = tpu.memref_slice %arg2[%dma_start3A_119, %add3A, %dma_start3A_125, %dma_start3A_126] : memref<1x32x16384x128xf32, #tpu.memory_space<hbm>> -> memref<1x1x16384x128xf32, #tpu.memory_space<hbm>>
    %dma_start3A_128 = tpu.memref_squeeze %dma_start3A_127 : memref<1x1x16384x128xf32, #tpu.memory_space<hbm>> -> memref<16384x128xf32, #tpu.memory_space<hbm>>
    %dma_start3A_129 = arith.constant 0 : i32
    %dma_start3A_130 = arith.constant 0 : i32
    %dma_start3A_131 = tpu.memref_slice %dma_start3A_128[%dma_start3A_129, %dma_start3A_130] : memref<16384x128xf32, #tpu.memory_space<hbm>> -> memref<16384x128xf32, #tpu.memory_space<hbm>>
    %dma_start3A_132 = tpu.memref_slice %arg10[%dma_start3A_120] : memref<2x!tpu.dma_semaphore, #tpu.memory_space<semaphore_mem>> -> memref<1x!tpu.dma_semaphore, #tpu.memory_space<semaphore_mem>>
    %dma_start3A_133 = tpu.memref_squeeze %dma_start3A_132 : memref<1x!tpu.dma_semaphore, #tpu.memory_space<semaphore_mem>> -> memref<!tpu.dma_semaphore, #tpu.memory_space<semaphore_mem>>
    tpu.enqueue_indirect_dma source(%dma_start3A_124 : memref<256x128xf32, #tpu.memory_space<vmem>>) target(%dma_start3A_131 : memref<16384x128xf32, #tpu.memory_space<hbm>>) offsets(%arg8 : memref<256xi32, #tpu.memory_space<vmem>>) semaphore(%dma_start3A_133 : memref<!tpu.dma_semaphore, #tpu.memory_space<semaphore_mem>>)
    %dma_wait3A_134 = arith.constant 0 : i32
    %dma_wait3A_135 = arith.constant 0 : i32
    %dma_wait3A_136 = arith.constant 0 : i32
    %dma_wait3A_137 = arith.constant 0 : i32
    %dma_wait3A_138 = arith.constant 0 : i32
    %dma_wait3A_139 = tpu.memref_slice %arg7[%dma_wait3A_134, %dma_wait3A_137, %dma_wait3A_138] : memref<2x256x128xf32, #tpu.memory_space<vmem>> -> memref<1x256x128xf32, #tpu.memory_space<vmem>>
    %dma_wait3A_140 = tpu.memref_squeeze %dma_wait3A_139 : memref<1x256x128xf32, #tpu.memory_space<vmem>> -> memref<256x128xf32, #tpu.memory_space<vmem>>
    %dma_wait3A_141 = arith.constant 0 : i32
    %dma_wait3A_142 = arith.constant 0 : i32
    %dma_wait3A_143 = tpu.memref_slice %arg2[%dma_wait3A_135, %add3A, %dma_wait3A_141, %dma_wait3A_142] : memref<1x32x16384x128xf32, #tpu.memory_space<hbm>> -> memref<1x1x16384x128xf32, #tpu.memory_space<hbm>>
    %dma_wait3A_144 = tpu.memref_squeeze %dma_wait3A_143 : memref<1x1x16384x128xf32, #tpu.memory_space<hbm>> -> memref<16384x128xf32, #tpu.memory_space<hbm>>
    %dma_wait3A_145 = arith.constant 0 : i32
    %dma_wait3A_146 = arith.constant 0 : i32
    %dma_wait3A_147 = tpu.memref_slice %dma_wait3A_144[%dma_wait3A_145, %dma_wait3A_146] : memref<16384x128xf32, #tpu.memory_space<hbm>> -> memref<16384x128xf32, #tpu.memory_space<hbm>>
    %dma_wait3A_148 = tpu.memref_slice %arg10[%dma_wait3A_136] : memref<2x!tpu.dma_semaphore, #tpu.memory_space<semaphore_mem>> -> memref<1x!tpu.dma_semaphore, #tpu.memory_space<semaphore_mem>>
    %dma_wait3A_149 = tpu.memref_squeeze %dma_wait3A_148 : memref<1x!tpu.dma_semaphore, #tpu.memory_space<semaphore_mem>> -> memref<!tpu.dma_semaphore, #tpu.memory_space<semaphore_mem>>
    tpu.wait_indirect_dma semaphore(%dma_wait3A_149 : memref<!tpu.dma_semaphore, #tpu.memory_space<semaphore_mem>>) src(%dma_wait3A_140 : memref<256x128xf32, #tpu.memory_space<vmem>>) dst(%dma_wait3A_147 : memref<16384x128xf32, #tpu.memory_space<hbm>>)
    %add3A_150 = arith.constant 768 : i32
    %add3A_151 = arith.addi %squeeze3A, %add3A_150 : i32
    %scan3A_152 = arith.constant 0 : i32
    %scan3A_153 = arith.constant 16 : i32
    %scan3A_154 = arith.addi %scan3A_152, %scan3A_153 : i32
    %scan3A_155 = arith.constant 1 : i32
    scf.for %scan3A_355 = %scan3A_152 to %scan3A_154 step %scan3A_155  : i32 {
      %iota3A = tpu.iota {dimensions = array<i32: 0>} : vector<16xi32>
      %add3A_356 = vector.broadcast %add3A_151 : i32 to vector<16xi32>
      %add3A_357 = arith.addi %add3A_356, %iota3A : vector<16xi32>
      %mul3A_358 = arith.constant 16 : i32
      %mul3A_359 = arith.muli %scan3A_355, %mul3A_358 : i32
      %add3A_360 = vector.broadcast %mul3A_359 : i32 to vector<16xi32>
      %add3A_361 = arith.addi %add3A_357, %add3A_360 : vector<16xi32>
      %ge3A = arith.constant 16384 : i32
      %ge3A_362 = vector.broadcast %ge3A : i32 to vector<16xi32>
      %ge3A_363 = arith.cmpi sge, %add3A_361, %ge3A_362 : vector<16xi32>
      %sub3A = arith.constant 16384 : i32
      %sub3A_364 = vector.broadcast %sub3A : i32 to vector<16xi32>
      %sub3A_365 = arith.subi %add3A_361, %sub3A_364 : vector<16xi32>
      %select_n3A = arith.select %ge3A_363, %sub3A_365, %add3A_361 : vector<16xi1>, vector<16xi32>
      %mul3A_366 = arith.constant 16 : i32
      %mul3A_367 = arith.muli %scan3A_355, %mul3A_366 : i32
      %swap3A = arith.index_cast %mul3A_367 : i32 to index
      %swap3A_368 = tpu.vector_load %arg8[%swap3A] {strides = array<i32>} : memref<256xi32, #tpu.memory_space<vmem>>, vector<16xi32>,
      %swap3A_369 = vector.shape_cast %swap3A_368 : vector<16xi32> to vector<16xi32>
      %swap3A_370 = vector.shape_cast %select_n3A : vector<16xi32> to vector<16xi32>
      tpu.vector_store %arg8[%swap3A], %swap3A_370 {strides = array<i32>} : memref<256xi32, #tpu.memory_space<vmem>>, vector<16xi32>,
    }
    %scan3A_156 = arith.constant 16 : i32
    %run_scoped3A_157 = arith.constant 0 : i32
    %run_scoped3A_158 = arith.constant 0 : i32
    "tpu.region"() ({
      %run_scoped3A_355 = tpu.sem_alloc : memref<!tpu.dma_semaphore, #tpu.memory_space<semaphore_mem>>
      %dma_start3A_356 = arith.constant 0 : i32
      %dma_start3A_357 = arith.constant 0 : i32
      %dma_start3A_358 = tpu.memref_slice %arg7[%run_scoped3A_158, %dma_start3A_356, %dma_start3A_357] : memref<2x256x128xf32, #tpu.memory_space<vmem>> -> memref<1x256x128xf32, #tpu.memory_space<vmem>>
      %dma_start3A_359 = tpu.memref_squeeze %dma_start3A_358 : memref<1x256x128xf32, #tpu.memory_space<vmem>> -> memref<256x128xf32, #tpu.memory_space<vmem>>
      %dma_start3A_360 = arith.constant 768 : i32
      %dma_start3A_361 = arith.constant 0 : i32
      %dma_start3A_362 = tpu.memref_slice %arg4[%run_scoped3A_157, %add3A, %dma_start3A_360, %dma_start3A_361] : memref<1x32x2048x128xf32, #tpu.memory_space<hbm>> -> memref<1x1x256x128xf32, #tpu.memory_space<hbm>>
      %dma_start3A_363 = tpu.memref_squeeze %dma_start3A_362 : memref<1x1x256x128xf32, #tpu.memory_space<hbm>> -> memref<256x128xf32, #tpu.memory_space<hbm>>
      %dma_start3A_364 = arith.constant 0 : i32
      %dma_start3A_365 = arith.constant 0 : i32
      %dma_start3A_366 = tpu.memref_slice %arg7[%run_scoped3A_158, %dma_start3A_364, %dma_start3A_365] : memref<2x256x128xf32, #tpu.memory_space<vmem>> -> memref<1x256x128xf32, #tpu.memory_space<vmem>>
      %dma_start3A_367 = tpu.memref_squeeze %dma_start3A_366 : memref<1x256x128xf32, #tpu.memory_space<vmem>> -> memref<256x128xf32, #tpu.memory_space<vmem>>
      %dma_start3A_368 = arith.constant 768 : i32
      %dma_start3A_369 = arith.constant 0 : i32
      %dma_start3A_370 = tpu.memref_slice %arg4[%run_scoped3A_157, %add3A, %dma_start3A_368, %dma_start3A_369] : memref<1x32x2048x128xf32, #tpu.memory_space<hbm>> -> memref<1x1x256x128xf32, #tpu.memory_space<hbm>>
      %dma_start3A_371 = tpu.memref_squeeze %dma_start3A_370 : memref<1x1x256x128xf32, #tpu.memory_space<hbm>> -> memref<256x128xf32, #tpu.memory_space<hbm>>
      tpu.enqueue_dma source(%dma_start3A_371 : memref<256x128xf32, #tpu.memory_space<hbm>>) target(%dma_start3A_367 : memref<256x128xf32, #tpu.memory_space<vmem>>) target_semaphore(%run_scoped3A_355 : memref<!tpu.dma_semaphore, #tpu.memory_space<semaphore_mem>>)
      %dma_wait3A_372 = arith.constant 0 : i32
      %dma_wait3A_373 = arith.constant 0 : i32
      %dma_wait3A_374 = tpu.memref_slice %arg7[%run_scoped3A_158, %dma_wait3A_372, %dma_wait3A_373] : memref<2x256x128xf32, #tpu.memory_space<vmem>> -> memref<1x256x128xf32, #tpu.memory_space<vmem>>
      %dma_wait3A_375 = tpu.memref_squeeze %dma_wait3A_374 : memref<1x256x128xf32, #tpu.memory_space<vmem>> -> memref<256x128xf32, #tpu.memory_space<vmem>>
      %dma_wait3A_376 = arith.constant 768 : i32
      %dma_wait3A_377 = arith.constant 0 : i32
      %dma_wait3A_378 = tpu.memref_slice %arg4[%run_scoped3A_157, %add3A, %dma_wait3A_376, %dma_wait3A_377] : memref<1x32x2048x128xf32, #tpu.memory_space<hbm>> -> memref<1x1x256x128xf32, #tpu.memory_space<hbm>>
      %dma_wait3A_379 = tpu.memref_squeeze %dma_wait3A_378 : memref<1x1x256x128xf32, #tpu.memory_space<hbm>> -> memref<256x128xf32, #tpu.memory_space<hbm>>
      %dma_wait3A_380 = arith.constant 0 : i32
      %dma_wait3A_381 = arith.constant 0 : i32
      %dma_wait3A_382 = tpu.memref_slice %arg7[%run_scoped3A_158, %dma_wait3A_380, %dma_wait3A_381] : memref<2x256x128xf32, #tpu.memory_space<vmem>> -> memref<1x256x128xf32, #tpu.memory_space<vmem>>
      %dma_wait3A_383 = tpu.memref_squeeze %dma_wait3A_382 : memref<1x256x128xf32, #tpu.memory_space<vmem>> -> memref<256x128xf32, #tpu.memory_space<vmem>>
      %dma_wait3A_384 = arith.constant 768 : i32
      %dma_wait3A_385 = arith.constant 0 : i32
      %dma_wait3A_386 = tpu.memref_slice %arg4[%run_scoped3A_157, %add3A, %dma_wait3A_384, %dma_wait3A_385] : memref<1x32x2048x128xf32, #tpu.memory_space<hbm>> -> memref<1x1x256x128xf32, #tpu.memory_space<hbm>>
      %dma_wait3A_387 = tpu.memref_squeeze %dma_wait3A_386 : memref<1x1x256x128xf32, #tpu.memory_space<hbm>> -> memref<256x128xf32, #tpu.memory_space<hbm>>
      tpu.wait_dma2 semaphore(%run_scoped3A_355 : memref<!tpu.dma_semaphore, #tpu.memory_space<semaphore_mem>>) src(%dma_wait3A_387 : memref<256x128xf32, #tpu.memory_space<hbm>>) dst(%dma_wait3A_383 : memref<256x128xf32, #tpu.memory_space<vmem>>)
      tpu.yield
    }) : () -> ()
    %dma_start3A_159 = arith.constant 0 : i32
    %dma_start3A_160 = arith.constant 0 : i32
    %dma_start3A_161 = arith.constant 0 : i32
    %dma_start3A_162 = arith.constant 0 : i32
    %dma_start3A_163 = arith.constant 0 : i32
    %dma_start3A_164 = tpu.memref_slice %arg7[%dma_start3A_159, %dma_start3A_162, %dma_start3A_163] : memref<2x256x128xf32, #tpu.memory_space<vmem>> -> memref<1x256x128xf32, #tpu.memory_space<vmem>>
    %dma_start3A_165 = tpu.memref_squeeze %dma_start3A_164 : memref<1x256x128xf32, #tpu.memory_space<vmem>> -> memref<256x128xf32, #tpu.memory_space<vmem>>
    %dma_start3A_166 = arith.constant 0 : i32
    %dma_start3A_167 = arith.constant 0 : i32
    %dma_start3A_168 = tpu.memref_slice %arg2[%dma_start3A_160, %add3A, %dma_start3A_166, %dma_start3A_167] : memref<1x32x16384x128xf32, #tpu.memory_space<hbm>> -> memref<1x1x16384x128xf32, #tpu.memory_space<hbm>>
    %dma_start3A_169 = tpu.memref_squeeze %dma_start3A_168 : memref<1x1x16384x128xf32, #tpu.memory_space<hbm>> -> memref<16384x128xf32, #tpu.memory_space<hbm>>
    %dma_start3A_170 = arith.constant 0 : i32
    %dma_start3A_171 = arith.constant 0 : i32
    %dma_start3A_172 = tpu.memref_slice %dma_start3A_169[%dma_start3A_170, %dma_start3A_171] : memref<16384x128xf32, #tpu.memory_space<hbm>> -> memref<16384x128xf32, #tpu.memory_space<hbm>>
    %dma_start3A_173 = tpu.memref_slice %arg10[%dma_start3A_161] : memref<2x!tpu.dma_semaphore, #tpu.memory_space<semaphore_mem>> -> memref<1x!tpu.dma_semaphore, #tpu.memory_space<semaphore_mem>>
    %dma_start3A_174 = tpu.memref_squeeze %dma_start3A_173 : memref<1x!tpu.dma_semaphore, #tpu.memory_space<semaphore_mem>> -> memref<!tpu.dma_semaphore, #tpu.memory_space<semaphore_mem>>
    tpu.enqueue_indirect_dma source(%dma_start3A_165 : memref<256x128xf32, #tpu.memory_space<vmem>>) target(%dma_start3A_172 : memref<16384x128xf32, #tpu.memory_space<hbm>>) offsets(%arg8 : memref<256xi32, #tpu.memory_space<vmem>>) semaphore(%dma_start3A_174 : memref<!tpu.dma_semaphore, #tpu.memory_space<semaphore_mem>>)
    %dma_wait3A_175 = arith.constant 0 : i32
    %dma_wait3A_176 = arith.constant 0 : i32
    %dma_wait3A_177 = arith.constant 0 : i32
    %dma_wait3A_178 = arith.constant 0 : i32
    %dma_wait3A_179 = arith.constant 0 : i32
    %dma_wait3A_180 = tpu.memref_slice %arg7[%dma_wait3A_175, %dma_wait3A_178, %dma_wait3A_179] : memref<2x256x128xf32, #tpu.memory_space<vmem>> -> memref<1x256x128xf32, #tpu.memory_space<vmem>>
    %dma_wait3A_181 = tpu.memref_squeeze %dma_wait3A_180 : memref<1x256x128xf32, #tpu.memory_space<vmem>> -> memref<256x128xf32, #tpu.memory_space<vmem>>
    %dma_wait3A_182 = arith.constant 0 : i32
    %dma_wait3A_183 = arith.constant 0 : i32
    %dma_wait3A_184 = tpu.memref_slice %arg2[%dma_wait3A_176, %add3A, %dma_wait3A_182, %dma_wait3A_183] : memref<1x32x16384x128xf32, #tpu.memory_space<hbm>> -> memref<1x1x16384x128xf32, #tpu.memory_space<hbm>>
    %dma_wait3A_185 = tpu.memref_squeeze %dma_wait3A_184 : memref<1x1x16384x128xf32, #tpu.memory_space<hbm>> -> memref<16384x128xf32, #tpu.memory_space<hbm>>
    %dma_wait3A_186 = arith.constant 0 : i32
    %dma_wait3A_187 = arith.constant 0 : i32
    %dma_wait3A_188 = tpu.memref_slice %dma_wait3A_185[%dma_wait3A_186, %dma_wait3A_187] : memref<16384x128xf32, #tpu.memory_space<hbm>> -> memref<16384x128xf32, #tpu.memory_space<hbm>>
    %dma_wait3A_189 = tpu.memref_slice %arg10[%dma_wait3A_177] : memref<2x!tpu.dma_semaphore, #tpu.memory_space<semaphore_mem>> -> memref<1x!tpu.dma_semaphore, #tpu.memory_space<semaphore_mem>>
    %dma_wait3A_190 = tpu.memref_squeeze %dma_wait3A_189 : memref<1x!tpu.dma_semaphore, #tpu.memory_space<semaphore_mem>> -> memref<!tpu.dma_semaphore, #tpu.memory_space<semaphore_mem>>
    tpu.wait_indirect_dma semaphore(%dma_wait3A_190 : memref<!tpu.dma_semaphore, #tpu.memory_space<semaphore_mem>>) src(%dma_wait3A_181 : memref<256x128xf32, #tpu.memory_space<vmem>>) dst(%dma_wait3A_188 : memref<16384x128xf32, #tpu.memory_space<hbm>>)
    %add3A_191 = arith.constant 1024 : i32
    %add3A_192 = arith.addi %squeeze3A, %add3A_191 : i32
    %scan3A_193 = arith.constant 0 : i32
    %scan3A_194 = arith.constant 16 : i32
    %scan3A_195 = arith.addi %scan3A_193, %scan3A_194 : i32
    %scan3A_196 = arith.constant 1 : i32
    scf.for %scan3A_355 = %scan3A_193 to %scan3A_195 step %scan3A_196  : i32 {
      %iota3A = tpu.iota {dimensions = array<i32: 0>} : vector<16xi32>
      %add3A_356 = vector.broadcast %add3A_192 : i32 to vector<16xi32>
      %add3A_357 = arith.addi %add3A_356, %iota3A : vector<16xi32>
      %mul3A_358 = arith.constant 16 : i32
      %mul3A_359 = arith.muli %scan3A_355, %mul3A_358 : i32
      %add3A_360 = vector.broadcast %mul3A_359 : i32 to vector<16xi32>
      %add3A_361 = arith.addi %add3A_357, %add3A_360 : vector<16xi32>
      %ge3A = arith.constant 16384 : i32
      %ge3A_362 = vector.broadcast %ge3A : i32 to vector<16xi32>
      %ge3A_363 = arith.cmpi sge, %add3A_361, %ge3A_362 : vector<16xi32>
      %sub3A = arith.constant 16384 : i32
      %sub3A_364 = vector.broadcast %sub3A : i32 to vector<16xi32>
      %sub3A_365 = arith.subi %add3A_361, %sub3A_364 : vector<16xi32>
      %select_n3A = arith.select %ge3A_363, %sub3A_365, %add3A_361 : vector<16xi1>, vector<16xi32>
      %mul3A_366 = arith.constant 16 : i32
      %mul3A_367 = arith.muli %scan3A_355, %mul3A_366 : i32
      %swap3A = arith.index_cast %mul3A_367 : i32 to index
      %swap3A_368 = tpu.vector_load %arg8[%swap3A] {strides = array<i32>} : memref<256xi32, #tpu.memory_space<vmem>>, vector<16xi32>,
      %swap3A_369 = vector.shape_cast %swap3A_368 : vector<16xi32> to vector<16xi32>
      %swap3A_370 = vector.shape_cast %select_n3A : vector<16xi32> to vector<16xi32>
      tpu.vector_store %arg8[%swap3A], %swap3A_370 {strides = array<i32>} : memref<256xi32, #tpu.memory_space<vmem>>, vector<16xi32>,
    }
    %scan3A_197 = arith.constant 16 : i32
    %run_scoped3A_198 = arith.constant 0 : i32
    %run_scoped3A_199 = arith.constant 0 : i32
    "tpu.region"() ({
      %run_scoped3A_355 = tpu.sem_alloc : memref<!tpu.dma_semaphore, #tpu.memory_space<semaphore_mem>>
      %dma_start3A_356 = arith.constant 0 : i32
      %dma_start3A_357 = arith.constant 0 : i32
      %dma_start3A_358 = tpu.memref_slice %arg7[%run_scoped3A_199, %dma_start3A_356, %dma_start3A_357] : memref<2x256x128xf32, #tpu.memory_space<vmem>> -> memref<1x256x128xf32, #tpu.memory_space<vmem>>
      %dma_start3A_359 = tpu.memref_squeeze %dma_start3A_358 : memref<1x256x128xf32, #tpu.memory_space<vmem>> -> memref<256x128xf32, #tpu.memory_space<vmem>>
      %dma_start3A_360 = arith.constant 1024 : i32
      %dma_start3A_361 = arith.constant 0 : i32
      %dma_start3A_362 = tpu.memref_slice %arg4[%run_scoped3A_198, %add3A, %dma_start3A_360, %dma_start3A_361] : memref<1x32x2048x128xf32, #tpu.memory_space<hbm>> -> memref<1x1x256x128xf32, #tpu.memory_space<hbm>>
      %dma_start3A_363 = tpu.memref_squeeze %dma_start3A_362 : memref<1x1x256x128xf32, #tpu.memory_space<hbm>> -> memref<256x128xf32, #tpu.memory_space<hbm>>
      %dma_start3A_364 = arith.constant 0 : i32
      %dma_start3A_365 = arith.constant 0 : i32
      %dma_start3A_366 = tpu.memref_slice %arg7[%run_scoped3A_199, %dma_start3A_364, %dma_start3A_365] : memref<2x256x128xf32, #tpu.memory_space<vmem>> -> memref<1x256x128xf32, #tpu.memory_space<vmem>>
      %dma_start3A_367 = tpu.memref_squeeze %dma_start3A_366 : memref<1x256x128xf32, #tpu.memory_space<vmem>> -> memref<256x128xf32, #tpu.memory_space<vmem>>
      %dma_start3A_368 = arith.constant 1024 : i32
      %dma_start3A_369 = arith.constant 0 : i32
      %dma_start3A_370 = tpu.memref_slice %arg4[%run_scoped3A_198, %add3A, %dma_start3A_368, %dma_start3A_369] : memref<1x32x2048x128xf32, #tpu.memory_space<hbm>> -> memref<1x1x256x128xf32, #tpu.memory_space<hbm>>
      %dma_start3A_371 = tpu.memref_squeeze %dma_start3A_370 : memref<1x1x256x128xf32, #tpu.memory_space<hbm>> -> memref<256x128xf32, #tpu.memory_space<hbm>>
      tpu.enqueue_dma source(%dma_start3A_371 : memref<256x128xf32, #tpu.memory_space<hbm>>) target(%dma_start3A_367 : memref<256x128xf32, #tpu.memory_space<vmem>>) target_semaphore(%run_scoped3A_355 : memref<!tpu.dma_semaphore, #tpu.memory_space<semaphore_mem>>)
      %dma_wait3A_372 = arith.constant 0 : i32
      %dma_wait3A_373 = arith.constant 0 : i32
      %dma_wait3A_374 = tpu.memref_slice %arg7[%run_scoped3A_199, %dma_wait3A_372, %dma_wait3A_373] : memref<2x256x128xf32, #tpu.memory_space<vmem>> -> memref<1x256x128xf32, #tpu.memory_space<vmem>>
      %dma_wait3A_375 = tpu.memref_squeeze %dma_wait3A_374 : memref<1x256x128xf32, #tpu.memory_space<vmem>> -> memref<256x128xf32, #tpu.memory_space<vmem>>
      %dma_wait3A_376 = arith.constant 1024 : i32
      %dma_wait3A_377 = arith.constant 0 : i32
      %dma_wait3A_378 = tpu.memref_slice %arg4[%run_scoped3A_198, %add3A, %dma_wait3A_376, %dma_wait3A_377] : memref<1x32x2048x128xf32, #tpu.memory_space<hbm>> -> memref<1x1x256x128xf32, #tpu.memory_space<hbm>>
      %dma_wait3A_379 = tpu.memref_squeeze %dma_wait3A_378 : memref<1x1x256x128xf32, #tpu.memory_space<hbm>> -> memref<256x128xf32, #tpu.memory_space<hbm>>
      %dma_wait3A_380 = arith.constant 0 : i32
      %dma_wait3A_381 = arith.constant 0 : i32
      %dma_wait3A_382 = tpu.memref_slice %arg7[%run_scoped3A_199, %dma_wait3A_380, %dma_wait3A_381] : memref<2x256x128xf32, #tpu.memory_space<vmem>> -> memref<1x256x128xf32, #tpu.memory_space<vmem>>
      %dma_wait3A_383 = tpu.memref_squeeze %dma_wait3A_382 : memref<1x256x128xf32, #tpu.memory_space<vmem>> -> memref<256x128xf32, #tpu.memory_space<vmem>>
      %dma_wait3A_384 = arith.constant 1024 : i32
      %dma_wait3A_385 = arith.constant 0 : i32
      %dma_wait3A_386 = tpu.memref_slice %arg4[%run_scoped3A_198, %add3A, %dma_wait3A_384, %dma_wait3A_385] : memref<1x32x2048x128xf32, #tpu.memory_space<hbm>> -> memref<1x1x256x128xf32, #tpu.memory_space<hbm>>
      %dma_wait3A_387 = tpu.memref_squeeze %dma_wait3A_386 : memref<1x1x256x128xf32, #tpu.memory_space<hbm>> -> memref<256x128xf32, #tpu.memory_space<hbm>>
      tpu.wait_dma2 semaphore(%run_scoped3A_355 : memref<!tpu.dma_semaphore, #tpu.memory_space<semaphore_mem>>) src(%dma_wait3A_387 : memref<256x128xf32, #tpu.memory_space<hbm>>) dst(%dma_wait3A_383 : memref<256x128xf32, #tpu.memory_space<vmem>>)
      tpu.yield
    }) : () -> ()
    %dma_start3A_200 = arith.constant 0 : i32
    %dma_start3A_201 = arith.constant 0 : i32
    %dma_start3A_202 = arith.constant 0 : i32
    %dma_start3A_203 = arith.constant 0 : i32
    %dma_start3A_204 = arith.constant 0 : i32
    %dma_start3A_205 = tpu.memref_slice %arg7[%dma_start3A_200, %dma_start3A_203, %dma_start3A_204] : memref<2x256x128xf32, #tpu.memory_space<vmem>> -> memref<1x256x128xf32, #tpu.memory_space<vmem>>
    %dma_start3A_206 = tpu.memref_squeeze %dma_start3A_205 : memref<1x256x128xf32, #tpu.memory_space<vmem>> -> memref<256x128xf32, #tpu.memory_space<vmem>>
    %dma_start3A_207 = arith.constant 0 : i32
    %dma_start3A_208 = arith.constant 0 : i32
    %dma_start3A_209 = tpu.memref_slice %arg2[%dma_start3A_201, %add3A, %dma_start3A_207, %dma_start3A_208] : memref<1x32x16384x128xf32, #tpu.memory_space<hbm>> -> memref<1x1x16384x128xf32, #tpu.memory_space<hbm>>
    %dma_start3A_210 = tpu.memref_squeeze %dma_start3A_209 : memref<1x1x16384x128xf32, #tpu.memory_space<hbm>> -> memref<16384x128xf32, #tpu.memory_space<hbm>>
    %dma_start3A_211 = arith.constant 0 : i32
    %dma_start3A_212 = arith.constant 0 : i32
    %dma_start3A_213 = tpu.memref_slice %dma_start3A_210[%dma_start3A_211, %dma_start3A_212] : memref<16384x128xf32, #tpu.memory_space<hbm>> -> memref<16384x128xf32, #tpu.memory_space<hbm>>
    %dma_start3A_214 = tpu.memref_slice %arg10[%dma_start3A_202] : memref<2x!tpu.dma_semaphore, #tpu.memory_space<semaphore_mem>> -> memref<1x!tpu.dma_semaphore, #tpu.memory_space<semaphore_mem>>
    %dma_start3A_215 = tpu.memref_squeeze %dma_start3A_214 : memref<1x!tpu.dma_semaphore, #tpu.memory_space<semaphore_mem>> -> memref<!tpu.dma_semaphore, #tpu.memory_space<semaphore_mem>>
    tpu.enqueue_indirect_dma source(%dma_start3A_206 : memref<256x128xf32, #tpu.memory_space<vmem>>) target(%dma_start3A_213 : memref<16384x128xf32, #tpu.memory_space<hbm>>) offsets(%arg8 : memref<256xi32, #tpu.memory_space<vmem>>) semaphore(%dma_start3A_215 : memref<!tpu.dma_semaphore, #tpu.memory_space<semaphore_mem>>)
    %dma_wait3A_216 = arith.constant 0 : i32
    %dma_wait3A_217 = arith.constant 0 : i32
    %dma_wait3A_218 = arith.constant 0 : i32
    %dma_wait3A_219 = arith.constant 0 : i32
    %dma_wait3A_220 = arith.constant 0 : i32
    %dma_wait3A_221 = tpu.memref_slice %arg7[%dma_wait3A_216, %dma_wait3A_219, %dma_wait3A_220] : memref<2x256x128xf32, #tpu.memory_space<vmem>> -> memref<1x256x128xf32, #tpu.memory_space<vmem>>
    %dma_wait3A_222 = tpu.memref_squeeze %dma_wait3A_221 : memref<1x256x128xf32, #tpu.memory_space<vmem>> -> memref<256x128xf32, #tpu.memory_space<vmem>>
    %dma_wait3A_223 = arith.constant 0 : i32
    %dma_wait3A_224 = arith.constant 0 : i32
    %dma_wait3A_225 = tpu.memref_slice %arg2[%dma_wait3A_217, %add3A, %dma_wait3A_223, %dma_wait3A_224] : memref<1x32x16384x128xf32, #tpu.memory_space<hbm>> -> memref<1x1x16384x128xf32, #tpu.memory_space<hbm>>
    %dma_wait3A_226 = tpu.memref_squeeze %dma_wait3A_225 : memref<1x1x16384x128xf32, #tpu.memory_space<hbm>> -> memref<16384x128xf32, #tpu.memory_space<hbm>>
    %dma_wait3A_227 = arith.constant 0 : i32
    %dma_wait3A_228 = arith.constant 0 : i32
    %dma_wait3A_229 = tpu.memref_slice %dma_wait3A_226[%dma_wait3A_227, %dma_wait3A_228] : memref<16384x128xf32, #tpu.memory_space<hbm>> -> memref<16384x128xf32, #tpu.memory_space<hbm>>
    %dma_wait3A_230 = tpu.memref_slice %arg10[%dma_wait3A_218] : memref<2x!tpu.dma_semaphore, #tpu.memory_space<semaphore_mem>> -> memref<1x!tpu.dma_semaphore, #tpu.memory_space<semaphore_mem>>
    %dma_wait3A_231 = tpu.memref_squeeze %dma_wait3A_230 : memref<1x!tpu.dma_semaphore, #tpu.memory_space<semaphore_mem>> -> memref<!tpu.dma_semaphore, #tpu.memory_space<semaphore_mem>>
    tpu.wait_indirect_dma semaphore(%dma_wait3A_231 : memref<!tpu.dma_semaphore, #tpu.memory_space<semaphore_mem>>) src(%dma_wait3A_222 : memref<256x128xf32, #tpu.memory_space<vmem>>) dst(%dma_wait3A_229 : memref<16384x128xf32, #tpu.memory_space<hbm>>)
    %add3A_232 = arith.constant 1280 : i32
    %add3A_233 = arith.addi %squeeze3A, %add3A_232 : i32
    %scan3A_234 = arith.constant 0 : i32
    %scan3A_235 = arith.constant 16 : i32
    %scan3A_236 = arith.addi %scan3A_234, %scan3A_235 : i32
    %scan3A_237 = arith.constant 1 : i32
    scf.for %scan3A_355 = %scan3A_234 to %scan3A_236 step %scan3A_237  : i32 {
      %iota3A = tpu.iota {dimensions = array<i32: 0>} : vector<16xi32>
      %add3A_356 = vector.broadcast %add3A_233 : i32 to vector<16xi32>
      %add3A_357 = arith.addi %add3A_356, %iota3A : vector<16xi32>
      %mul3A_358 = arith.constant 16 : i32
      %mul3A_359 = arith.muli %scan3A_355, %mul3A_358 : i32
      %add3A_360 = vector.broadcast %mul3A_359 : i32 to vector<16xi32>
      %add3A_361 = arith.addi %add3A_357, %add3A_360 : vector<16xi32>
      %ge3A = arith.constant 16384 : i32
      %ge3A_362 = vector.broadcast %ge3A : i32 to vector<16xi32>
      %ge3A_363 = arith.cmpi sge, %add3A_361, %ge3A_362 : vector<16xi32>
      %sub3A = arith.constant 16384 : i32
      %sub3A_364 = vector.broadcast %sub3A : i32 to vector<16xi32>
      %sub3A_365 = arith.subi %add3A_361, %sub3A_364 : vector<16xi32>
      %select_n3A = arith.select %ge3A_363, %sub3A_365, %add3A_361 : vector<16xi1>, vector<16xi32>
      %mul3A_366 = arith.constant 16 : i32
      %mul3A_367 = arith.muli %scan3A_355, %mul3A_366 : i32
      %swap3A = arith.index_cast %mul3A_367 : i32 to index
      %swap3A_368 = tpu.vector_load %arg8[%swap3A] {strides = array<i32>} : memref<256xi32, #tpu.memory_space<vmem>>, vector<16xi32>,
      %swap3A_369 = vector.shape_cast %swap3A_368 : vector<16xi32> to vector<16xi32>
      %swap3A_370 = vector.shape_cast %select_n3A : vector<16xi32> to vector<16xi32>
      tpu.vector_store %arg8[%swap3A], %swap3A_370 {strides = array<i32>} : memref<256xi32, #tpu.memory_space<vmem>>, vector<16xi32>,
    }
    %scan3A_238 = arith.constant 16 : i32
    %run_scoped3A_239 = arith.constant 0 : i32
    %run_scoped3A_240 = arith.constant 0 : i32
    "tpu.region"() ({
      %run_scoped3A_355 = tpu.sem_alloc : memref<!tpu.dma_semaphore, #tpu.memory_space<semaphore_mem>>
      %dma_start3A_356 = arith.constant 0 : i32
      %dma_start3A_357 = arith.constant 0 : i32
      %dma_start3A_358 = tpu.memref_slice %arg7[%run_scoped3A_240, %dma_start3A_356, %dma_start3A_357] : memref<2x256x128xf32, #tpu.memory_space<vmem>> -> memref<1x256x128xf32, #tpu.memory_space<vmem>>
      %dma_start3A_359 = tpu.memref_squeeze %dma_start3A_358 : memref<1x256x128xf32, #tpu.memory_space<vmem>> -> memref<256x128xf32, #tpu.memory_space<vmem>>
      %dma_start3A_360 = arith.constant 1280 : i32
      %dma_start3A_361 = arith.constant 0 : i32
      %dma_start3A_362 = tpu.memref_slice %arg4[%run_scoped3A_239, %add3A, %dma_start3A_360, %dma_start3A_361] : memref<1x32x2048x128xf32, #tpu.memory_space<hbm>> -> memref<1x1x256x128xf32, #tpu.memory_space<hbm>>
      %dma_start3A_363 = tpu.memref_squeeze %dma_start3A_362 : memref<1x1x256x128xf32, #tpu.memory_space<hbm>> -> memref<256x128xf32, #tpu.memory_space<hbm>>
      %dma_start3A_364 = arith.constant 0 : i32
      %dma_start3A_365 = arith.constant 0 : i32
      %dma_start3A_366 = tpu.memref_slice %arg7[%run_scoped3A_240, %dma_start3A_364, %dma_start3A_365] : memref<2x256x128xf32, #tpu.memory_space<vmem>> -> memref<1x256x128xf32, #tpu.memory_space<vmem>>
      %dma_start3A_367 = tpu.memref_squeeze %dma_start3A_366 : memref<1x256x128xf32, #tpu.memory_space<vmem>> -> memref<256x128xf32, #tpu.memory_space<vmem>>
      %dma_start3A_368 = arith.constant 1280 : i32
      %dma_start3A_369 = arith.constant 0 : i32
      %dma_start3A_370 = tpu.memref_slice %arg4[%run_scoped3A_239, %add3A, %dma_start3A_368, %dma_start3A_369] : memref<1x32x2048x128xf32, #tpu.memory_space<hbm>> -> memref<1x1x256x128xf32, #tpu.memory_space<hbm>>
      %dma_start3A_371 = tpu.memref_squeeze %dma_start3A_370 : memref<1x1x256x128xf32, #tpu.memory_space<hbm>> -> memref<256x128xf32, #tpu.memory_space<hbm>>
      tpu.enqueue_dma source(%dma_start3A_371 : memref<256x128xf32, #tpu.memory_space<hbm>>) target(%dma_start3A_367 : memref<256x128xf32, #tpu.memory_space<vmem>>) target_semaphore(%run_scoped3A_355 : memref<!tpu.dma_semaphore, #tpu.memory_space<semaphore_mem>>)
      %dma_wait3A_372 = arith.constant 0 : i32
      %dma_wait3A_373 = arith.constant 0 : i32
      %dma_wait3A_374 = tpu.memref_slice %arg7[%run_scoped3A_240, %dma_wait3A_372, %dma_wait3A_373] : memref<2x256x128xf32, #tpu.memory_space<vmem>> -> memref<1x256x128xf32, #tpu.memory_space<vmem>>
      %dma_wait3A_375 = tpu.memref_squeeze %dma_wait3A_374 : memref<1x256x128xf32, #tpu.memory_space<vmem>> -> memref<256x128xf32, #tpu.memory_space<vmem>>
      %dma_wait3A_376 = arith.constant 1280 : i32
      %dma_wait3A_377 = arith.constant 0 : i32
      %dma_wait3A_378 = tpu.memref_slice %arg4[%run_scoped3A_239, %add3A, %dma_wait3A_376, %dma_wait3A_377] : memref<1x32x2048x128xf32, #tpu.memory_space<hbm>> -> memref<1x1x256x128xf32, #tpu.memory_space<hbm>>
      %dma_wait3A_379 = tpu.memref_squeeze %dma_wait3A_378 : memref<1x1x256x128xf32, #tpu.memory_space<hbm>> -> memref<256x128xf32, #tpu.memory_space<hbm>>
      %dma_wait3A_380 = arith.constant 0 : i32
      %dma_wait3A_381 = arith.constant 0 : i32
      %dma_wait3A_382 = tpu.memref_slice %arg7[%run_scoped3A_240, %dma_wait3A_380, %dma_wait3A_381] : memref<2x256x128xf32, #tpu.memory_space<vmem>> -> memref<1x256x128xf32, #tpu.memory_space<vmem>>
      %dma_wait3A_383 = tpu.memref_squeeze %dma_wait3A_382 : memref<1x256x128xf32, #tpu.memory_space<vmem>> -> memref<256x128xf32, #tpu.memory_space<vmem>>
      %dma_wait3A_384 = arith.constant 1280 : i32
      %dma_wait3A_385 = arith.constant 0 : i32
      %dma_wait3A_386 = tpu.memref_slice %arg4[%run_scoped3A_239, %add3A, %dma_wait3A_384, %dma_wait3A_385] : memref<1x32x2048x128xf32, #tpu.memory_space<hbm>> -> memref<1x1x256x128xf32, #tpu.memory_space<hbm>>
      %dma_wait3A_387 = tpu.memref_squeeze %dma_wait3A_386 : memref<1x1x256x128xf32, #tpu.memory_space<hbm>> -> memref<256x128xf32, #tpu.memory_space<hbm>>
      tpu.wait_dma2 semaphore(%run_scoped3A_355 : memref<!tpu.dma_semaphore, #tpu.memory_space<semaphore_mem>>) src(%dma_wait3A_387 : memref<256x128xf32, #tpu.memory_space<hbm>>) dst(%dma_wait3A_383 : memref<256x128xf32, #tpu.memory_space<vmem>>)
      tpu.yield
    }) : () -> ()
    %dma_start3A_241 = arith.constant 0 : i32
    %dma_start3A_242 = arith.constant 0 : i32
    %dma_start3A_243 = arith.constant 0 : i32
    %dma_start3A_244 = arith.constant 0 : i32
    %dma_start3A_245 = arith.constant 0 : i32
    %dma_start3A_246 = tpu.memref_slice %arg7[%dma_start3A_241, %dma_start3A_244, %dma_start3A_245] : memref<2x256x128xf32, #tpu.memory_space<vmem>> -> memref<1x256x128xf32, #tpu.memory_space<vmem>>
    %dma_start3A_247 = tpu.memref_squeeze %dma_start3A_246 : memref<1x256x128xf32, #tpu.memory_space<vmem>> -> memref<256x128xf32, #tpu.memory_space<vmem>>
    %dma_start3A_248 = arith.constant 0 : i32
    %dma_start3A_249 = arith.constant 0 : i32
    %dma_start3A_250 = tpu.memref_slice %arg2[%dma_start3A_242, %add3A, %dma_start3A_248, %dma_start3A_249] : memref<1x32x16384x128xf32, #tpu.memory_space<hbm>> -> memref<1x1x16384x128xf32, #tpu.memory_space<hbm>>
    %dma_start3A_251 = tpu.memref_squeeze %dma_start3A_250 : memref<1x1x16384x128xf32, #tpu.memory_space<hbm>> -> memref<16384x128xf32, #tpu.memory_space<hbm>>
    %dma_start3A_252 = arith.constant 0 : i32
    %dma_start3A_253 = arith.constant 0 : i32
    %dma_start3A_254 = tpu.memref_slice %dma_start3A_251[%dma_start3A_252, %dma_start3A_253] : memref<16384x128xf32, #tpu.memory_space<hbm>> -> memref<16384x128xf32, #tpu.memory_space<hbm>>
    %dma_start3A_255 = tpu.memref_slice %arg10[%dma_start3A_243] : memref<2x!tpu.dma_semaphore, #tpu.memory_space<semaphore_mem>> -> memref<1x!tpu.dma_semaphore, #tpu.memory_space<semaphore_mem>>
    %dma_start3A_256 = tpu.memref_squeeze %dma_start3A_255 : memref<1x!tpu.dma_semaphore, #tpu.memory_space<semaphore_mem>> -> memref<!tpu.dma_semaphore, #tpu.memory_space<semaphore_mem>>
    tpu.enqueue_indirect_dma source(%dma_start3A_247 : memref<256x128xf32, #tpu.memory_space<vmem>>) target(%dma_start3A_254 : memref<16384x128xf32, #tpu.memory_space<hbm>>) offsets(%arg8 : memref<256xi32, #tpu.memory_space<vmem>>) semaphore(%dma_start3A_256 : memref<!tpu.dma_semaphore, #tpu.memory_space<semaphore_mem>>)
    %dma_wait3A_257 = arith.constant 0 : i32
    %dma_wait3A_258 = arith.constant 0 : i32
    %dma_wait3A_259 = arith.constant 0 : i32
    %dma_wait3A_260 = arith.constant 0 : i32
    %dma_wait3A_261 = arith.constant 0 : i32
    %dma_wait3A_262 = tpu.memref_slice %arg7[%dma_wait3A_257, %dma_wait3A_260, %dma_wait3A_261] : memref<2x256x128xf32, #tpu.memory_space<vmem>> -> memref<1x256x128xf32, #tpu.memory_space<vmem>>
    %dma_wait3A_263 = tpu.memref_squeeze %dma_wait3A_262 : memref<1x256x128xf32, #tpu.memory_space<vmem>> -> memref<256x128xf32, #tpu.memory_space<vmem>>
    %dma_wait3A_264 = arith.constant 0 : i32
    %dma_wait3A_265 = arith.constant 0 : i32
    %dma_wait3A_266 = tpu.memref_slice %arg2[%dma_wait3A_258, %add3A, %dma_wait3A_264, %dma_wait3A_265] : memref<1x32x16384x128xf32, #tpu.memory_space<hbm>> -> memref<1x1x16384x128xf32, #tpu.memory_space<hbm>>
    %dma_wait3A_267 = tpu.memref_squeeze %dma_wait3A_266 : memref<1x1x16384x128xf32, #tpu.memory_space<hbm>> -> memref<16384x128xf32, #tpu.memory_space<hbm>>
    %dma_wait3A_268 = arith.constant 0 : i32
    %dma_wait3A_269 = arith.constant 0 : i32
    %dma_wait3A_270 = tpu.memref_slice %dma_wait3A_267[%dma_wait3A_268, %dma_wait3A_269] : memref<16384x128xf32, #tpu.memory_space<hbm>> -> memref<16384x128xf32, #tpu.memory_space<hbm>>
    %dma_wait3A_271 = tpu.memref_slice %arg10[%dma_wait3A_259] : memref<2x!tpu.dma_semaphore, #tpu.memory_space<semaphore_mem>> -> memref<1x!tpu.dma_semaphore, #tpu.memory_space<semaphore_mem>>
    %dma_wait3A_272 = tpu.memref_squeeze %dma_wait3A_271 : memref<1x!tpu.dma_semaphore, #tpu.memory_space<semaphore_mem>> -> memref<!tpu.dma_semaphore, #tpu.memory_space<semaphore_mem>>
    tpu.wait_indirect_dma semaphore(%dma_wait3A_272 : memref<!tpu.dma_semaphore, #tpu.memory_space<semaphore_mem>>) src(%dma_wait3A_263 : memref<256x128xf32, #tpu.memory_space<vmem>>) dst(%dma_wait3A_270 : memref<16384x128xf32, #tpu.memory_space<hbm>>)
    %add3A_273 = arith.constant 1536 : i32
    %add3A_274 = arith.addi %squeeze3A, %add3A_273 : i32
    %scan3A_275 = arith.constant 0 : i32
    %scan3A_276 = arith.constant 16 : i32
    %scan3A_277 = arith.addi %scan3A_275, %scan3A_276 : i32
    %scan3A_278 = arith.constant 1 : i32
    scf.for %scan3A_355 = %scan3A_275 to %scan3A_277 step %scan3A_278  : i32 {
      %iota3A = tpu.iota {dimensions = array<i32: 0>} : vector<16xi32>
      %add3A_356 = vector.broadcast %add3A_274 : i32 to vector<16xi32>
      %add3A_357 = arith.addi %add3A_356, %iota3A : vector<16xi32>
      %mul3A_358 = arith.constant 16 : i32
      %mul3A_359 = arith.muli %scan3A_355, %mul3A_358 : i32
      %add3A_360 = vector.broadcast %mul3A_359 : i32 to vector<16xi32>
      %add3A_361 = arith.addi %add3A_357, %add3A_360 : vector<16xi32>
      %ge3A = arith.constant 16384 : i32
      %ge3A_362 = vector.broadcast %ge3A : i32 to vector<16xi32>
      %ge3A_363 = arith.cmpi sge, %add3A_361, %ge3A_362 : vector<16xi32>
      %sub3A = arith.constant 16384 : i32
      %sub3A_364 = vector.broadcast %sub3A : i32 to vector<16xi32>
      %sub3A_365 = arith.subi %add3A_361, %sub3A_364 : vector<16xi32>
      %select_n3A = arith.select %ge3A_363, %sub3A_365, %add3A_361 : vector<16xi1>, vector<16xi32>
      %mul3A_366 = arith.constant 16 : i32
      %mul3A_367 = arith.muli %scan3A_355, %mul3A_366 : i32
      %swap3A = arith.index_cast %mul3A_367 : i32 to index
      %swap3A_368 = tpu.vector_load %arg8[%swap3A] {strides = array<i32>} : memref<256xi32, #tpu.memory_space<vmem>>, vector<16xi32>,
      %swap3A_369 = vector.shape_cast %swap3A_368 : vector<16xi32> to vector<16xi32>
      %swap3A_370 = vector.shape_cast %select_n3A : vector<16xi32> to vector<16xi32>
      tpu.vector_store %arg8[%swap3A], %swap3A_370 {strides = array<i32>} : memref<256xi32, #tpu.memory_space<vmem>>, vector<16xi32>,
    }
    %scan3A_279 = arith.constant 16 : i32
    %run_scoped3A_280 = arith.constant 0 : i32
    %run_scoped3A_281 = arith.constant 0 : i32
    "tpu.region"() ({
      %run_scoped3A_355 = tpu.sem_alloc : memref<!tpu.dma_semaphore, #tpu.memory_space<semaphore_mem>>
      %dma_start3A_356 = arith.constant 0 : i32
      %dma_start3A_357 = arith.constant 0 : i32
      %dma_start3A_358 = tpu.memref_slice %arg7[%run_scoped3A_281, %dma_start3A_356, %dma_start3A_357] : memref<2x256x128xf32, #tpu.memory_space<vmem>> -> memref<1x256x128xf32, #tpu.memory_space<vmem>>
      %dma_start3A_359 = tpu.memref_squeeze %dma_start3A_358 : memref<1x256x128xf32, #tpu.memory_space<vmem>> -> memref<256x128xf32, #tpu.memory_space<vmem>>
      %dma_start3A_360 = arith.constant 1536 : i32
      %dma_start3A_361 = arith.constant 0 : i32
      %dma_start3A_362 = tpu.memref_slice %arg4[%run_scoped3A_280, %add3A, %dma_start3A_360, %dma_start3A_361] : memref<1x32x2048x128xf32, #tpu.memory_space<hbm>> -> memref<1x1x256x128xf32, #tpu.memory_space<hbm>>
      %dma_start3A_363 = tpu.memref_squeeze %dma_start3A_362 : memref<1x1x256x128xf32, #tpu.memory_space<hbm>> -> memref<256x128xf32, #tpu.memory_space<hbm>>
      %dma_start3A_364 = arith.constant 0 : i32
      %dma_start3A_365 = arith.constant 0 : i32
      %dma_start3A_366 = tpu.memref_slice %arg7[%run_scoped3A_281, %dma_start3A_364, %dma_start3A_365] : memref<2x256x128xf32, #tpu.memory_space<vmem>> -> memref<1x256x128xf32, #tpu.memory_space<vmem>>
      %dma_start3A_367 = tpu.memref_squeeze %dma_start3A_366 : memref<1x256x128xf32, #tpu.memory_space<vmem>> -> memref<256x128xf32, #tpu.memory_space<vmem>>
      %dma_start3A_368 = arith.constant 1536 : i32
      %dma_start3A_369 = arith.constant 0 : i32
      %dma_start3A_370 = tpu.memref_slice %arg4[%run_scoped3A_280, %add3A, %dma_start3A_368, %dma_start3A_369] : memref<1x32x2048x128xf32, #tpu.memory_space<hbm>> -> memref<1x1x256x128xf32, #tpu.memory_space<hbm>>
      %dma_start3A_371 = tpu.memref_squeeze %dma_start3A_370 : memref<1x1x256x128xf32, #tpu.memory_space<hbm>> -> memref<256x128xf32, #tpu.memory_space<hbm>>
      tpu.enqueue_dma source(%dma_start3A_371 : memref<256x128xf32, #tpu.memory_space<hbm>>) target(%dma_start3A_367 : memref<256x128xf32, #tpu.memory_space<vmem>>) target_semaphore(%run_scoped3A_355 : memref<!tpu.dma_semaphore, #tpu.memory_space<semaphore_mem>>)
      %dma_wait3A_372 = arith.constant 0 : i32
      %dma_wait3A_373 = arith.constant 0 : i32
      %dma_wait3A_374 = tpu.memref_slice %arg7[%run_scoped3A_281, %dma_wait3A_372, %dma_wait3A_373] : memref<2x256x128xf32, #tpu.memory_space<vmem>> -> memref<1x256x128xf32, #tpu.memory_space<vmem>>
      %dma_wait3A_375 = tpu.memref_squeeze %dma_wait3A_374 : memref<1x256x128xf32, #tpu.memory_space<vmem>> -> memref<256x128xf32, #tpu.memory_space<vmem>>
      %dma_wait3A_376 = arith.constant 1536 : i32
      %dma_wait3A_377 = arith.constant 0 : i32
      %dma_wait3A_378 = tpu.memref_slice %arg4[%run_scoped3A_280, %add3A, %dma_wait3A_376, %dma_wait3A_377] : memref<1x32x2048x128xf32, #tpu.memory_space<hbm>> -> memref<1x1x256x128xf32, #tpu.memory_space<hbm>>
      %dma_wait3A_379 = tpu.memref_squeeze %dma_wait3A_378 : memref<1x1x256x128xf32, #tpu.memory_space<hbm>> -> memref<256x128xf32, #tpu.memory_space<hbm>>
      %dma_wait3A_380 = arith.constant 0 : i32
      %dma_wait3A_381 = arith.constant 0 : i32
      %dma_wait3A_382 = tpu.memref_slice %arg7[%run_scoped3A_281, %dma_wait3A_380, %dma_wait3A_381] : memref<2x256x128xf32, #tpu.memory_space<vmem>> -> memref<1x256x128xf32, #tpu.memory_space<vmem>>
      %dma_wait3A_383 = tpu.memref_squeeze %dma_wait3A_382 : memref<1x256x128xf32, #tpu.memory_space<vmem>> -> memref<256x128xf32, #tpu.memory_space<vmem>>
      %dma_wait3A_384 = arith.constant 1536 : i32
      %dma_wait3A_385 = arith.constant 0 : i32
      %dma_wait3A_386 = tpu.memref_slice %arg4[%run_scoped3A_280, %add3A, %dma_wait3A_384, %dma_wait3A_385] : memref<1x32x2048x128xf32, #tpu.memory_space<hbm>> -> memref<1x1x256x128xf32, #tpu.memory_space<hbm>>
      %dma_wait3A_387 = tpu.memref_squeeze %dma_wait3A_386 : memref<1x1x256x128xf32, #tpu.memory_space<hbm>> -> memref<256x128xf32, #tpu.memory_space<hbm>>
      tpu.wait_dma2 semaphore(%run_scoped3A_355 : memref<!tpu.dma_semaphore, #tpu.memory_space<semaphore_mem>>) src(%dma_wait3A_387 : memref<256x128xf32, #tpu.memory_space<hbm>>) dst(%dma_wait3A_383 : memref<256x128xf32, #tpu.memory_space<vmem>>)
      tpu.yield
    }) : () -> ()
    %dma_start3A_282 = arith.constant 0 : i32
    %dma_start3A_283 = arith.constant 0 : i32
    %dma_start3A_284 = arith.constant 0 : i32
    %dma_start3A_285 = arith.constant 0 : i32
    %dma_start3A_286 = arith.constant 0 : i32
    %dma_start3A_287 = tpu.memref_slice %arg7[%dma_start3A_282, %dma_start3A_285, %dma_start3A_286] : memref<2x256x128xf32, #tpu.memory_space<vmem>> -> memref<1x256x128xf32, #tpu.memory_space<vmem>>
    %dma_start3A_288 = tpu.memref_squeeze %dma_start3A_287 : memref<1x256x128xf32, #tpu.memory_space<vmem>> -> memref<256x128xf32, #tpu.memory_space<vmem>>
    %dma_start3A_289 = arith.constant 0 : i32
    %dma_start3A_290 = arith.constant 0 : i32
    %dma_start3A_291 = tpu.memref_slice %arg2[%dma_start3A_283, %add3A, %dma_start3A_289, %dma_start3A_290] : memref<1x32x16384x128xf32, #tpu.memory_space<hbm>> -> memref<1x1x16384x128xf32, #tpu.memory_space<hbm>>
    %dma_start3A_292 = tpu.memref_squeeze %dma_start3A_291 : memref<1x1x16384x128xf32, #tpu.memory_space<hbm>> -> memref<16384x128xf32, #tpu.memory_space<hbm>>
    %dma_start3A_293 = arith.constant 0 : i32
    %dma_start3A_294 = arith.constant 0 : i32
    %dma_start3A_295 = tpu.memref_slice %dma_start3A_292[%dma_start3A_293, %dma_start3A_294] : memref<16384x128xf32, #tpu.memory_space<hbm>> -> memref<16384x128xf32, #tpu.memory_space<hbm>>
    %dma_start3A_296 = tpu.memref_slice %arg10[%dma_start3A_284] : memref<2x!tpu.dma_semaphore, #tpu.memory_space<semaphore_mem>> -> memref<1x!tpu.dma_semaphore, #tpu.memory_space<semaphore_mem>>
    %dma_start3A_297 = tpu.memref_squeeze %dma_start3A_296 : memref<1x!tpu.dma_semaphore, #tpu.memory_space<semaphore_mem>> -> memref<!tpu.dma_semaphore, #tpu.memory_space<semaphore_mem>>
    tpu.enqueue_indirect_dma source(%dma_start3A_288 : memref<256x128xf32, #tpu.memory_space<vmem>>) target(%dma_start3A_295 : memref<16384x128xf32, #tpu.memory_space<hbm>>) offsets(%arg8 : memref<256xi32, #tpu.memory_space<vmem>>) semaphore(%dma_start3A_297 : memref<!tpu.dma_semaphore, #tpu.memory_space<semaphore_mem>>)
    %dma_wait3A_298 = arith.constant 0 : i32
    %dma_wait3A_299 = arith.constant 0 : i32
    %dma_wait3A_300 = arith.constant 0 : i32
    %dma_wait3A_301 = arith.constant 0 : i32
    %dma_wait3A_302 = arith.constant 0 : i32
    %dma_wait3A_303 = tpu.memref_slice %arg7[%dma_wait3A_298, %dma_wait3A_301, %dma_wait3A_302] : memref<2x256x128xf32, #tpu.memory_space<vmem>> -> memref<1x256x128xf32, #tpu.memory_space<vmem>>
    %dma_wait3A_304 = tpu.memref_squeeze %dma_wait3A_303 : memref<1x256x128xf32, #tpu.memory_space<vmem>> -> memref<256x128xf32, #tpu.memory_space<vmem>>
    %dma_wait3A_305 = arith.constant 0 : i32
    %dma_wait3A_306 = arith.constant 0 : i32
    %dma_wait3A_307 = tpu.memref_slice %arg2[%dma_wait3A_299, %add3A, %dma_wait3A_305, %dma_wait3A_306] : memref<1x32x16384x128xf32, #tpu.memory_space<hbm>> -> memref<1x1x16384x128xf32, #tpu.memory_space<hbm>>
    %dma_wait3A_308 = tpu.memref_squeeze %dma_wait3A_307 : memref<1x1x16384x128xf32, #tpu.memory_space<hbm>> -> memref<16384x128xf32, #tpu.memory_space<hbm>>
    %dma_wait3A_309 = arith.constant 0 : i32
    %dma_wait3A_310 = arith.constant 0 : i32
    %dma_wait3A_311 = tpu.memref_slice %dma_wait3A_308[%dma_wait3A_309, %dma_wait3A_310] : memref<16384x128xf32, #tpu.memory_space<hbm>> -> memref<16384x128xf32, #tpu.memory_space<hbm>>
    %dma_wait3A_312 = tpu.memref_slice %arg10[%dma_wait3A_300] : memref<2x!tpu.dma_semaphore, #tpu.memory_space<semaphore_mem>> -> memref<1x!tpu.dma_semaphore, #tpu.memory_space<semaphore_mem>>
    %dma_wait3A_313 = tpu.memref_squeeze %dma_wait3A_312 : memref<1x!tpu.dma_semaphore, #tpu.memory_space<semaphore_mem>> -> memref<!tpu.dma_semaphore, #tpu.memory_space<semaphore_mem>>
    tpu.wait_indirect_dma semaphore(%dma_wait3A_313 : memref<!tpu.dma_semaphore, #tpu.memory_space<semaphore_mem>>) src(%dma_wait3A_304 : memref<256x128xf32, #tpu.memory_space<vmem>>) dst(%dma_wait3A_311 : memref<16384x128xf32, #tpu.memory_space<hbm>>)
    %add3A_314 = arith.constant 1792 : i32
    %add3A_315 = arith.addi %squeeze3A, %add3A_314 : i32
    %scan3A_316 = arith.constant 0 : i32
    %scan3A_317 = arith.constant 16 : i32
    %scan3A_318 = arith.addi %scan3A_316, %scan3A_317 : i32
    %scan3A_319 = arith.constant 1 : i32
    scf.for %scan3A_355 = %scan3A_316 to %scan3A_318 step %scan3A_319  : i32 {
      %iota3A = tpu.iota {dimensions = array<i32: 0>} : vector<16xi32>
      %add3A_356 = vector.broadcast %add3A_315 : i32 to vector<16xi32>
      %add3A_357 = arith.addi %add3A_356, %iota3A : vector<16xi32>
      %mul3A_358 = arith.constant 16 : i32
      %mul3A_359 = arith.muli %scan3A_355, %mul3A_358 : i32
      %add3A_360 = vector.broadcast %mul3A_359 : i32 to vector<16xi32>
      %add3A_361 = arith.addi %add3A_357, %add3A_360 : vector<16xi32>
      %ge3A = arith.constant 16384 : i32
      %ge3A_362 = vector.broadcast %ge3A : i32 to vector<16xi32>
      %ge3A_363 = arith.cmpi sge, %add3A_361, %ge3A_362 : vector<16xi32>
      %sub3A = arith.constant 16384 : i32
      %sub3A_364 = vector.broadcast %sub3A : i32 to vector<16xi32>
      %sub3A_365 = arith.subi %add3A_361, %sub3A_364 : vector<16xi32>
      %select_n3A = arith.select %ge3A_363, %sub3A_365, %add3A_361 : vector<16xi1>, vector<16xi32>
      %mul3A_366 = arith.constant 16 : i32
      %mul3A_367 = arith.muli %scan3A_355, %mul3A_366 : i32
      %swap3A = arith.index_cast %mul3A_367 : i32 to index
      %swap3A_368 = tpu.vector_load %arg8[%swap3A] {strides = array<i32>} : memref<256xi32, #tpu.memory_space<vmem>>, vector<16xi32>,
      %swap3A_369 = vector.shape_cast %swap3A_368 : vector<16xi32> to vector<16xi32>
      %swap3A_370 = vector.shape_cast %select_n3A : vector<16xi32> to vector<16xi32>
      tpu.vector_store %arg8[%swap3A], %swap3A_370 {strides = array<i32>} : memref<256xi32, #tpu.memory_space<vmem>>, vector<16xi32>,
    }
    %scan3A_320 = arith.constant 16 : i32
    %run_scoped3A_321 = arith.constant 0 : i32
    %run_scoped3A_322 = arith.constant 0 : i32
    "tpu.region"() ({
      %run_scoped3A_355 = tpu.sem_alloc : memref<!tpu.dma_semaphore, #tpu.memory_space<semaphore_mem>>
      %dma_start3A_356 = arith.constant 0 : i32
      %dma_start3A_357 = arith.constant 0 : i32
      %dma_start3A_358 = tpu.memref_slice %arg7[%run_scoped3A_322, %dma_start3A_356, %dma_start3A_357] : memref<2x256x128xf32, #tpu.memory_space<vmem>> -> memref<1x256x128xf32, #tpu.memory_space<vmem>>
      %dma_start3A_359 = tpu.memref_squeeze %dma_start3A_358 : memref<1x256x128xf32, #tpu.memory_space<vmem>> -> memref<256x128xf32, #tpu.memory_space<vmem>>
      %dma_start3A_360 = arith.constant 1792 : i32
      %dma_start3A_361 = arith.constant 0 : i32
      %dma_start3A_362 = tpu.memref_slice %arg4[%run_scoped3A_321, %add3A, %dma_start3A_360, %dma_start3A_361] : memref<1x32x2048x128xf32, #tpu.memory_space<hbm>> -> memref<1x1x256x128xf32, #tpu.memory_space<hbm>>
      %dma_start3A_363 = tpu.memref_squeeze %dma_start3A_362 : memref<1x1x256x128xf32, #tpu.memory_space<hbm>> -> memref<256x128xf32, #tpu.memory_space<hbm>>
      %dma_start3A_364 = arith.constant 0 : i32
      %dma_start3A_365 = arith.constant 0 : i32
      %dma_start3A_366 = tpu.memref_slice %arg7[%run_scoped3A_322, %dma_start3A_364, %dma_start3A_365] : memref<2x256x128xf32, #tpu.memory_space<vmem>> -> memref<1x256x128xf32, #tpu.memory_space<vmem>>
      %dma_start3A_367 = tpu.memref_squeeze %dma_start3A_366 : memref<1x256x128xf32, #tpu.memory_space<vmem>> -> memref<256x128xf32, #tpu.memory_space<vmem>>
      %dma_start3A_368 = arith.constant 1792 : i32
      %dma_start3A_369 = arith.constant 0 : i32
      %dma_start3A_370 = tpu.memref_slice %arg4[%run_scoped3A_321, %add3A, %dma_start3A_368, %dma_start3A_369] : memref<1x32x2048x128xf32, #tpu.memory_space<hbm>> -> memref<1x1x256x128xf32, #tpu.memory_space<hbm>>
      %dma_start3A_371 = tpu.memref_squeeze %dma_start3A_370 : memref<1x1x256x128xf32, #tpu.memory_space<hbm>> -> memref<256x128xf32, #tpu.memory_space<hbm>>
      tpu.enqueue_dma source(%dma_start3A_371 : memref<256x128xf32, #tpu.memory_space<hbm>>) target(%dma_start3A_367 : memref<256x128xf32, #tpu.memory_space<vmem>>) target_semaphore(%run_scoped3A_355 : memref<!tpu.dma_semaphore, #tpu.memory_space<semaphore_mem>>)
      %dma_wait3A_372 = arith.constant 0 : i32
      %dma_wait3A_373 = arith.constant 0 : i32
      %dma_wait3A_374 = tpu.memref_slice %arg7[%run_scoped3A_322, %dma_wait3A_372, %dma_wait3A_373] : memref<2x256x128xf32, #tpu.memory_space<vmem>> -> memref<1x256x128xf32, #tpu.memory_space<vmem>>
      %dma_wait3A_375 = tpu.memref_squeeze %dma_wait3A_374 : memref<1x256x128xf32, #tpu.memory_space<vmem>> -> memref<256x128xf32, #tpu.memory_space<vmem>>
      %dma_wait3A_376 = arith.constant 1792 : i32
      %dma_wait3A_377 = arith.constant 0 : i32
      %dma_wait3A_378 = tpu.memref_slice %arg4[%run_scoped3A_321, %add3A, %dma_wait3A_376, %dma_wait3A_377] : memref<1x32x2048x128xf32, #tpu.memory_space<hbm>> -> memref<1x1x256x128xf32, #tpu.memory_space<hbm>>
      %dma_wait3A_379 = tpu.memref_squeeze %dma_wait3A_378 : memref<1x1x256x128xf32, #tpu.memory_space<hbm>> -> memref<256x128xf32, #tpu.memory_space<hbm>>
      %dma_wait3A_380 = arith.constant 0 : i32
      %dma_wait3A_381 = arith.constant 0 : i32
      %dma_wait3A_382 = tpu.memref_slice %arg7[%run_scoped3A_322, %dma_wait3A_380, %dma_wait3A_381] : memref<2x256x128xf32, #tpu.memory_space<vmem>> -> memref<1x256x128xf32, #tpu.memory_space<vmem>>
      %dma_wait3A_383 = tpu.memref_squeeze %dma_wait3A_382 : memref<1x256x128xf32, #tpu.memory_space<vmem>> -> memref<256x128xf32, #tpu.memory_space<vmem>>
      %dma_wait3A_384 = arith.constant 1792 : i32
      %dma_wait3A_385 = arith.constant 0 : i32
      %dma_wait3A_386 = tpu.memref_slice %arg4[%run_scoped3A_321, %add3A, %dma_wait3A_384, %dma_wait3A_385] : memref<1x32x2048x128xf32, #tpu.memory_space<hbm>> -> memref<1x1x256x128xf32, #tpu.memory_space<hbm>>
      %dma_wait3A_387 = tpu.memref_squeeze %dma_wait3A_386 : memref<1x1x256x128xf32, #tpu.memory_space<hbm>> -> memref<256x128xf32, #tpu.memory_space<hbm>>
      tpu.wait_dma2 semaphore(%run_scoped3A_355 : memref<!tpu.dma_semaphore, #tpu.memory_space<semaphore_mem>>) src(%dma_wait3A_387 : memref<256x128xf32, #tpu.memory_space<hbm>>) dst(%dma_wait3A_383 : memref<256x128xf32, #tpu.memory_space<vmem>>)
      tpu.yield
    }) : () -> ()
    %dma_start3A_323 = arith.constant 0 : i32
    %dma_start3A_324 = arith.constant 0 : i32
    %dma_start3A_325 = arith.constant 0 : i32
    %dma_start3A_326 = arith.constant 0 : i32
    %dma_start3A_327 = arith.constant 0 : i32
    %dma_start3A_328 = tpu.memref_slice %arg7[%dma_start3A_323, %dma_start3A_326, %dma_start3A_327] : memref<2x256x128xf32, #tpu.memory_space<vmem>> -> memref<1x256x128xf32, #tpu.memory_space<vmem>>
    %dma_start3A_329 = tpu.memref_squeeze %dma_start3A_328 : memref<1x256x128xf32, #tpu.memory_space<vmem>> -> memref<256x128xf32, #tpu.memory_space<vmem>>
    %dma_start3A_330 = arith.constant 0 : i32
    %dma_start3A_331 = arith.constant 0 : i32
    %dma_start3A_332 = tpu.memref_slice %arg2[%dma_start3A_324, %add3A, %dma_start3A_330, %dma_start3A_331] : memref<1x32x16384x128xf32, #tpu.memory_space<hbm>> -> memref<1x1x16384x128xf32, #tpu.memory_space<hbm>>
    %dma_start3A_333 = tpu.memref_squeeze %dma_start3A_332 : memref<1x1x16384x128xf32, #tpu.memory_space<hbm>> -> memref<16384x128xf32, #tpu.memory_space<hbm>>
    %dma_start3A_334 = arith.constant 0 : i32
    %dma_start3A_335 = arith.constant 0 : i32
    %dma_start3A_336 = tpu.memref_slice %dma_start3A_333[%dma_start3A_334, %dma_start3A_335] : memref<16384x128xf32, #tpu.memory_space<hbm>> -> memref<16384x128xf32, #tpu.memory_space<hbm>>
    %dma_start3A_337 = tpu.memref_slice %arg10[%dma_start3A_325] : memref<2x!tpu.dma_semaphore, #tpu.memory_space<semaphore_mem>> -> memref<1x!tpu.dma_semaphore, #tpu.memory_space<semaphore_mem>>
    %dma_start3A_338 = tpu.memref_squeeze %dma_start3A_337 : memref<1x!tpu.dma_semaphore, #tpu.memory_space<semaphore_mem>> -> memref<!tpu.dma_semaphore, #tpu.memory_space<semaphore_mem>>
    tpu.enqueue_indirect_dma source(%dma_start3A_329 : memref<256x128xf32, #tpu.memory_space<vmem>>) target(%dma_start3A_336 : memref<16384x128xf32, #tpu.memory_space<hbm>>) offsets(%arg8 : memref<256xi32, #tpu.memory_space<vmem>>) semaphore(%dma_start3A_338 : memref<!tpu.dma_semaphore, #tpu.memory_space<semaphore_mem>>)
    %dma_wait3A_339 = arith.constant 0 : i32
    %dma_wait3A_340 = arith.constant 0 : i32
    %dma_wait3A_341 = arith.constant 0 : i32
    %dma_wait3A_342 = arith.constant 0 : i32
    %dma_wait3A_343 = arith.constant 0 : i32
    %dma_wait3A_344 = tpu.memref_slice %arg7[%dma_wait3A_339, %dma_wait3A_342, %dma_wait3A_343] : memref<2x256x128xf32, #tpu.memory_space<vmem>> -> memref<1x256x128xf32, #tpu.memory_space<vmem>>
    %dma_wait3A_345 = tpu.memref_squeeze %dma_wait3A_344 : memref<1x256x128xf32, #tpu.memory_space<vmem>> -> memref<256x128xf32, #tpu.memory_space<vmem>>
    %dma_wait3A_346 = arith.constant 0 : i32
    %dma_wait3A_347 = arith.constant 0 : i32
    %dma_wait3A_348 = tpu.memref_slice %arg2[%dma_wait3A_340, %add3A, %dma_wait3A_346, %dma_wait3A_347] : memref<1x32x16384x128xf32, #tpu.memory_space<hbm>> -> memref<1x1x16384x128xf32, #tpu.memory_space<hbm>>
    %dma_wait3A_349 = tpu.memref_squeeze %dma_wait3A_348 : memref<1x1x16384x128xf32, #tpu.memory_space<hbm>> -> memref<16384x128xf32, #tpu.memory_space<hbm>>
    %dma_wait3A_350 = arith.constant 0 : i32
    %dma_wait3A_351 = arith.constant 0 : i32
    %dma_wait3A_352 = tpu.memref_slice %dma_wait3A_349[%dma_wait3A_350, %dma_wait3A_351] : memref<16384x128xf32, #tpu.memory_space<hbm>> -> memref<16384x128xf32, #tpu.memory_space<hbm>>
    %dma_wait3A_353 = tpu.memref_slice %arg10[%dma_wait3A_341] : memref<2x!tpu.dma_semaphore, #tpu.memory_space<semaphore_mem>> -> memref<1x!tpu.dma_semaphore, #tpu.memory_space<semaphore_mem>>
    %dma_wait3A_354 = tpu.memref_squeeze %dma_wait3A_353 : memref<1x!tpu.dma_semaphore, #tpu.memory_space<semaphore_mem>> -> memref<!tpu.dma_semaphore, #tpu.memory_space<semaphore_mem>>
    tpu.wait_indirect_dma semaphore(%dma_wait3A_354 : memref<!tpu.dma_semaphore, #tpu.memory_space<semaphore_mem>>) src(%dma_wait3A_345 : memref<256x128xf32, #tpu.memory_space<vmem>>) dst(%dma_wait3A_352 : memref<16384x128xf32, #tpu.memory_space<hbm>>)
    return
  }
}

module attributes {stable_mosaic.version = 14 : i64} {
  func.func @_copy_top_kernel(%arg0: i32, %arg1: i32, %arg2: memref<1x1x4096x128xf32, #tpu.memory_space<vmem>>, %arg3: memref<1x1x4096x128xf32, #tpu.memory_space<vmem>>) attributes {dimension_semantics = [#tpu.dimension_semantics<arbitrary>, #tpu.dimension_semantics<arbitrary>], iteration_bounds = array<i64: 32, 3>, scalar_prefetch = 0 : i64, scratch_operands = 0 : i64, tpu.core_type = #tpu.core_type<tc>, window_params = [{transform_indices = @transform_0, window_bounds = array<i64: 1, 1, 4096, 128>}, {transform_indices = @transform_1, window_bounds = array<i64: 1, 1, 4096, 128>}]} {
    %get3A = arith.constant 0 : index
    %get3A_0 = arith.constant 0 : index
    %get3A_1 = arith.constant 0 : index
    %get3A_2 = arith.constant 0 : index
    %get3A_3 = vector.load %arg2[%get3A, %get3A_0, %get3A_1, %get3A_2] : memref<1x1x4096x128xf32, #tpu.memory_space<vmem>>, vector<1x1x4096x128xf32>
    %swap3A = arith.constant 0 : index
    %swap3A_4 = arith.constant 0 : index
    %swap3A_5 = arith.constant 0 : index
    %swap3A_6 = arith.constant 0 : index
    %swap3A_7 = vector.load %arg3[%swap3A, %swap3A_4, %swap3A_5, %swap3A_6] : memref<1x1x4096x128xf32, #tpu.memory_space<vmem>>, vector<1x1x4096x128xf32>
    tpu.vector_store %arg3[%swap3A, %swap3A_4, %swap3A_5, %swap3A_6], %get3A_3 {strides = array<i32>} : memref<1x1x4096x128xf32, #tpu.memory_space<vmem>>, vector<1x1x4096x128xf32>,
    return
  }
  func.func @transform_0(%arg0: i32, %arg1: i32) -> (i32, i32, i32, i32) {
    %add3A = arith.constant 1 : i32
    %add3A_0 = arith.addi %add3A, %arg1 : i32
    %c0_i32 = arith.constant 0 : i32
    %c0_i32_1 = arith.constant 0 : i32
    %c0_i32_2 = arith.constant 0 : i32
    return %c0_i32, %arg0, %add3A_0, %c0_i32_1 : i32, i32, i32, i32
  }
  func.func @transform_1(%arg0: i32, %arg1: i32) -> (i32, i32, i32, i32) {
    %add3A = arith.constant 1 : i32
    %add3A_0 = arith.addi %add3A, %arg1 : i32
    %c0_i32 = arith.constant 0 : i32
    %c0_i32_1 = arith.constant 0 : i32
    %c0_i32_2 = arith.constant 0 : i32
    return %c0_i32, %arg0, %add3A_0, %c0_i32_1 : i32, i32, i32, i32
  }
}

module attributes {stable_mosaic.version = 14 : i64} {
  func.func @_blend_kernel(%arg0: i32, %arg1: i32, %arg2: memref<1xi32, #tpu.memory_space<smem>>, %arg3: memref<1x1x8192x128xf32, #tpu.memory_space<vmem>>, %arg4: memref<1x1x2048x128xf32, #tpu.memory_space<vmem>>, %arg5: memref<1x1x8192x128xf32, #tpu.memory_space<vmem>>, %arg6: memref<18432x128xf32, #tpu.memory_space<vmem>>) attributes {dimension_semantics = [#tpu.dimension_semantics<arbitrary>, #tpu.dimension_semantics<arbitrary>], iteration_bounds = array<i64: 32, 2>, scalar_prefetch = 1 : i64, scratch_operands = 1 : i64, tpu.core_type = #tpu.core_type<tc>, window_params = [{transform_indices = @transform_0, window_bounds = array<i64: 1, 1, 8192, 128>}, {transform_indices = @transform_1, window_bounds = array<i64: 1, 1, 2048, 128>}, {transform_indices = @transform_2, window_bounds = array<i64: 1, 1, 8192, 128>}]} {
    %eq3A = arith.constant 0 : i32
    %eq3A_0 = arith.cmpi eq, %arg1, %eq3A : i32
    %convert_element_type3A = arith.extui %eq3A_0 : i1 to i32
    %cond3A = arith.constant 0 : i32
    %cond3A_1 = arith.cmpi ne, %convert_element_type3A, %cond3A : i32
    scf.if %cond3A_1 {
      %get3A_65 = arith.constant 0 : index
      %get3A_66 = arith.constant 0 : index
      %get3A_67 = arith.constant 0 : index
      %get3A_68 = arith.constant 0 : index
      %get3A_69 = vector.load %arg4[%get3A_65, %get3A_66, %get3A_67, %get3A_68] : memref<1x1x2048x128xf32, #tpu.memory_space<vmem>>, vector<1x1x2048x128xf32>
      %get3A_70 = vector.shape_cast %get3A_69 : vector<1x1x2048x128xf32> to vector<2048x128xf32>
      %swap3A_71 = arith.constant 8192 : index
      %swap3A_72 = arith.constant 0 : index
      %swap3A_73 = vector.load %arg6[%swap3A_71, %swap3A_72] : memref<18432x128xf32, #tpu.memory_space<vmem>>, vector<2048x128xf32>
      tpu.vector_store %arg6[%swap3A_71, %swap3A_72], %get3A_70 {strides = array<i32>} : memref<18432x128xf32, #tpu.memory_space<vmem>>, vector<2048x128xf32>,
    } else {
    }
    %get3A = arith.constant 0 : index
    %get3A_2 = memref.load %arg2[%get3A] : memref<1xi32, #tpu.memory_space<smem>>
    %mul3A = arith.constant 8192 : i32
    %mul3A_3 = arith.muli %arg1, %mul3A : i32
    %sub3A = arith.subi %mul3A_3, %get3A_2 : i32
    %jit3A = arith.constant 16384 : i32
    %eq3A_4 = arith.constant 0 : i32
    %eq3A_5 = arith.cmpi eq, %jit3A, %eq3A_4 : i32
    %jit3A_6 = arith.constant 1 : i32
    %select_n3A = arith.select %eq3A_5, %jit3A_6, %jit3A : i32
    %rem3A = arith.remsi %sub3A, %select_n3A : i32
    %ne3A = arith.constant 0 : i32
    %ne3A_7 = arith.cmpi ne, %rem3A, %ne3A : i32
    %lt3A = arith.constant 0 : i32
    %lt3A_8 = arith.cmpi slt, %rem3A, %lt3A : i32
    %lt3A_9 = arith.constant 0 : i32
    %lt3A_10 = arith.cmpi slt, %select_n3A, %lt3A_9 : i32
    %ne3A_11 = arith.xori %lt3A_8, %lt3A_10 : i1
    %and3A = arith.andi %ne3A_11, %ne3A_7 : i1
    %add3A = arith.addi %rem3A, %select_n3A : i32
    %select_n3A_12 = arith.select %and3A, %add3A, %rem3A : i32
    %add3A_13 = arith.constant 8192 : i32
    %add3A_14 = arith.addi %select_n3A_12, %add3A_13 : i32
    %jit3A_15 = arith.constant 16384 : i32
    %eq3A_16 = arith.constant 0 : i32
    %eq3A_17 = arith.cmpi eq, %jit3A_15, %eq3A_16 : i32
    %jit3A_18 = arith.constant 1 : i32
    %select_n3A_19 = arith.select %eq3A_17, %jit3A_18, %jit3A_15 : i32
    %rem3A_20 = arith.remsi %add3A_14, %select_n3A_19 : i32
    %ne3A_21 = arith.constant 0 : i32
    %ne3A_22 = arith.cmpi ne, %rem3A_20, %ne3A_21 : i32
    %lt3A_23 = arith.constant 0 : i32
    %lt3A_24 = arith.cmpi slt, %rem3A_20, %lt3A_23 : i32
    %lt3A_25 = arith.constant 0 : i32
    %lt3A_26 = arith.cmpi slt, %select_n3A_19, %lt3A_25 : i32
    %ne3A_27 = arith.xori %lt3A_24, %lt3A_26 : i1
    %and3A_28 = arith.andi %ne3A_27, %ne3A_22 : i1
    %add3A_29 = arith.addi %rem3A_20, %select_n3A_19 : i32
    %select_n3A_30 = arith.select %and3A_28, %add3A_29, %rem3A_20 : i32
    %sub3A_31 = arith.constant 8192 : i32
    %sub3A_32 = arith.subi %select_n3A_30, %sub3A_31 : i32
    %jit3A_33 = arith.constant -8192 : i32
    %jit3A_34 = arith.constant 2048 : i32
    %max3A = arith.maxsi %jit3A_33, %sub3A_32 : i32
    %min3A = arith.minsi %jit3A_34, %max3A : i32
    %iota3A = tpu.iota {dimensions = array<i32: 0>} : vector<8192x1xi32>
    %add3A_35 = vector.broadcast %select_n3A_12 : i32 to vector<8192x1xi32>
    %add3A_36 = arith.addi %add3A_35, %iota3A : vector<8192x1xi32>
    %ge3A = arith.constant 16384 : i32
    %ge3A_37 = vector.broadcast %ge3A : i32 to vector<8192x1xi32>
    %ge3A_38 = arith.cmpi sge, %add3A_36, %ge3A_37 : vector<8192x1xi32>
    %sub3A_39 = arith.constant 16384 : i32
    %sub3A_40 = vector.broadcast %sub3A_39 : i32 to vector<8192x1xi32>
    %sub3A_41 = arith.subi %add3A_36, %sub3A_40 : vector<8192x1xi32>
    %select_n3A_42 = arith.select %ge3A_38, %sub3A_41, %add3A_36 : vector<8192x1xi1>, vector<8192x1xi32>
    %lt3A_43 = arith.constant 2048 : i32
    %lt3A_44 = vector.broadcast %lt3A_43 : i32 to vector<8192x1xi32>
    %lt3A_45 = arith.cmpi slt, %select_n3A_42, %lt3A_44 : vector<8192x1xi32>
    %add3A_46 = arith.constant 8192 : i32
    %add3A_47 = arith.addi %add3A_46, %min3A : i32
    %get3A_48 = arith.index_cast %add3A_47 : i32 to index
    %get3A_49 = arith.constant 0 : index
    %get3A_50 = vector.load %arg6[%get3A_48, %get3A_49] : memref<18432x128xf32, #tpu.memory_space<vmem>>, vector<8192x128xf32>
    %get3A_51 = arith.constant 0 : index
    %get3A_52 = arith.constant 0 : index
    %get3A_53 = arith.constant 0 : index
    %get3A_54 = arith.constant 0 : index
    %get3A_55 = vector.load %arg3[%get3A_51, %get3A_52, %get3A_53, %get3A_54] : memref<1x1x8192x128xf32, #tpu.memory_space<vmem>>, vector<1x1x8192x128xf32>
    %get3A_56 = vector.shape_cast %get3A_55 : vector<1x1x8192x128xf32> to vector<8192x128xf32>
    %broadcast_in_dim3A = vector.shape_cast %lt3A_45 : vector<8192x1xi1> to vector<8192x1xi1>
    %broadcast_in_dim3A_57 = vector.broadcast %broadcast_in_dim3A : vector<8192x1xi1> to vector<8192x128xi1>
    %select_n3A_58 = arith.select %broadcast_in_dim3A_57, %get3A_50, %get3A_56 : vector<8192x128xi1>, vector<8192x128xf32>
    %swap3A = arith.constant 0 : index
    %swap3A_59 = arith.constant 0 : index
    %swap3A_60 = arith.constant 0 : index
    %swap3A_61 = arith.constant 0 : index
    %swap3A_62 = vector.load %arg5[%swap3A, %swap3A_59, %swap3A_60, %swap3A_61] : memref<1x1x8192x128xf32, #tpu.memory_space<vmem>>, vector<1x1x8192x128xf32>
    %swap3A_63 = vector.shape_cast %swap3A_62 : vector<1x1x8192x128xf32> to vector<8192x128xf32>
    %swap3A_64 = vector.shape_cast %select_n3A_58 : vector<8192x128xf32> to vector<1x1x8192x128xf32>
    tpu.vector_store %arg5[%swap3A, %swap3A_59, %swap3A_60, %swap3A_61], %swap3A_64 {strides = array<i32>} : memref<1x1x8192x128xf32, #tpu.memory_space<vmem>>, vector<1x1x8192x128xf32>,
    return
  }
  func.func @transform_0(%arg0: i32, %arg1: i32, %arg2: memref<1xi32, #tpu.memory_space<smem>>) -> (i32, i32, i32, i32) {
    %c0_i32 = arith.constant 0 : i32
    %c0_i32_0 = arith.constant 0 : i32
    %c0_i32_1 = arith.constant 0 : i32
    return %c0_i32, %arg0, %arg1, %c0_i32_0 : i32, i32, i32, i32
  }
  func.func @transform_1(%arg0: i32, %arg1: i32, %arg2: memref<1xi32, #tpu.memory_space<smem>>) -> (i32, i32, i32, i32) {
    %c0_i32 = arith.constant 0 : i32
    %c0_i32_0 = arith.constant 0 : i32
    %c0_i32_1 = arith.constant 0 : i32
    %c0_i32_2 = arith.constant 0 : i32
    return %c0_i32, %arg0, %c0_i32_0, %c0_i32_1 : i32, i32, i32, i32
  }
  func.func @transform_2(%arg0: i32, %arg1: i32, %arg2: memref<1xi32, #tpu.memory_space<smem>>) -> (i32, i32, i32, i32) {
    %c0_i32 = arith.constant 0 : i32
    %c0_i32_0 = arith.constant 0 : i32
    %c0_i32_1 = arith.constant 0 : i32
    return %c0_i32, %arg0, %arg1, %c0_i32_0 : i32, i32, i32, i32
  }
}

</mosaic_0001>

<sc_bundles>
// kernel: kernel.5.cloned.1.call-start
scs
__scs_entry_jumppad:
0x0: {  	(pc) =	sbr.rel $0x88, $3  }
0x1: {  	(tag) =	ssettag $0x0;
	lr =	simm.s32 $0x1  }
0x2: {  	[smem:$0x3F9C] =	sst lr;
	_ =	strace $0xD0000000  }
0x3: {  	_ = 	snop  }
0x4: {  	_ = 	snop  }
0x5: {  	_ = 	snop  }
0x6: {  	_ = 	snop  }
0x7: {  	_ = 	snop  }
__scs_overlays_trampoline_lowered:
0x8: {  	[smem:$0x3FAB] =	sst s0  }
0x9: {  	[smem:$0x3FAC] =	sst s1  }
0xa: {  	[smem:$0x3FAD] =	sst s2  }
0xb: {  	[smem:$0x3FAE] =	sst s3  }
0xc: {  	[smem:$0x3FAF] =	sst s4  }
0xd: {  	[smem:$0x3FB0] =	sst s5  }
0xe: {  	[smem:$0x3FB1] =	sst s6  }
0xf: {  	[smem:$0x3FB2] =	sst s7  }
0x10: {  	[smem:$0x3FB3] =	sst s8  }
0x11: {  	[smem:$0x3FB4] =	sst s9;
	s0 =	simm.s32 @!p0 $0x0  }
0x12: {  	s1 =	sld [smem:$0x3F9A];
	s0 =	simm.s32 @p0 $0x1  }
0x13: {  	[smem:$0x3FB5] =	sst s0;
	s0 =	simm.s32 @!p1 $0x0  }
0x14: {  	s2 =	sld [smem:$0x3F99];
	s0 =	simm.s32 @p1 $0x1  }
0x15: {  	[smem:$0x3FB6] =	sst s0;
	s0 =	simm.s32 @!p2 $0x0  }
0x16: {  	s3 =	sld [smem:$0x3FDB];
	s0 =	simm.s32 @p2 $0x1  }
0x17: {  	s4 =	simm.s32 $0x1BF5;
	[smem:$0x3FB8] =	sst s0  }
0x18: {  	s0 =	sld [smem:$0x3F9B];
	_ =	swait.ge [sflag:s4], $0x0  }
0x19: {  	s7 =	sld [smem:$0x3F9C]  }
0x1a: {  	s8 =	sadd.s32 $0xFFFFE003, lr  }
0x1b: {  	s9 =	sadd.s32 $0xFFFFFEF7, lr;
	s5 =	simm.s32 $0xFFFFFFFF;
	p2 =	slt.u32 s8, $0xFFFFF086  }
0x1c: {  	p1 =	slt.u32 s9, $0xF7A;
	s5 =	simm.s32 @!p2 $0x0  }
0x1d: {  	s5 =	simm.s32 @p1 $0x1;
	p0 =	seq.s32 s7, s2  }
0x1e: {  	s7 =	smul.u32 @!p0 $0xF7A, s2;
	p2 =	seq.s32 @!p0 s5, $0x0  }
0x1f: {  	s9 =	smul.u32 $0xF7A, s1;
	s8 =	simm.s32 @!p0 $0x1BF5;
	p2 =	por !p2, p0  }
0x20: {  	[sflag:s8] =	ssyncset.s32 @!p0 $0xFFFFF086;
	s6 =	sadd.s32 @!p0 s3, s7;
	s7 =	simm.s32 @!p0 $0x108  }
0x21: {  	s3 =	sadd.s32 s3, s9;
	s6 =	sadd.s32 @!p0 $0x88, s6;
	s7 =	simm.s32 @p2 $0x1082  }
0x22: {  	[simem:s7], [sflag:s8] =	dma.local @!p0 [hbm:s6], $0xF7A  }
0x23: {  	s9 =	sor.u32 $0xD0000000, s2;
	s6 =	simm.s32 $0x108;
	_ =	swait.ge @!p0 [sflag:s8], $0x0  }
0x24: {  	s3 =	sadd.s32 $0x88, s3;
	s6 =	simm.s32 @!p1 $0x1082;
	[sflag:s4] =	ssyncset.s32 $0xFFFFF086  }
0x25: {  	[simem:s6], [sflag:s4] =	dma.local [hbm:s3], $0xF7A  }
0x26: {  	[smem:$0x3F9C] =	sst s1;
	(tag) =	ssettag s2;
	_ =	strace s9  }
0x27: {  	s1 =	sld [smem:$0x3FAC]  }
0x28: {  	s2 =	sld [smem:$0x3FAD]  }
0x29: {  	s4 =	sld [smem:$0x3FAF]  }
0x2a: {  	p0 =	seq.s32 s5, $0x0;
	s5 =	sld [smem:$0x3FB0]  }
0x2b: {  	s6 =	sld [smem:$0x3FB1]  }
0x2c: {  	s7 =	sld [smem:$0x3FB2]  }
0x2d: {  	s3 =	simm.s32 $0x108;
	s8 =	sld [smem:$0x3FB3]  }
0x2e: {  	s3 =	simm.s32 @!p0 $0x1082;
	s9 =	sld [smem:$0x3FB4]  }
0x2f: {  	lr =	sadd.s32 s0, s3;
	s0 =	sld [smem:$0x3FAB]  }
0x30: {  	s3 =	sld [smem:$0x3FAE]  }
0x31: {  	[smem:$0x3FB7] =	sst s10  }
0x32: {  	s10 =	sld [smem:$0x3FB5];
	_ =	sdelay $0x3  }
0x33: {  	p0 =	seq.s32 s10, $0x1;
	s10 =	sld [smem:$0x3FB7];
	_ =	sdelay $0x3  }
0x34: {  	[smem:$0x3FB7] =	sst s10  }
0x35: {  	s10 =	sld [smem:$0x3FB6];
	_ =	sdelay $0x3  }
0x36: {  	p1 =	seq.s32 s10, $0x1;
	s10 =	sld [smem:$0x3FB7];
	_ =	sdelay $0x3  }
0x37: {  	[smem:$0x3FB7] =	sst s10  }
0x38: {  	s10 =	sld [smem:$0x3FB8]  }
0x39: {  	_ = 	snop;
	(pc) =	sbr.ind lr, $3  }
0x3a: {  	_ = 	snop  }
0x3b: {  	_ = 	snop  }
0x3c: {  	p2 =	seq.s32 s10, $0x1;
	s10 =	sld [smem:$0x3FB7]  }
0x3d: {  	_ =	shalt  }
0x3e: {  	_ =	shalt  }
0x3f: {  	_ =	shalt  }
0x40: {  	_ =	shalt  }
0x41: {  	_ =	shalt  }
0x42: {  	_ =	shalt  }
0x43: {  	_ =	shalt  }
0x44: {  	_ =	shalt  }
0x45: {  	_ =	shalt  }
0x46: {  	_ =	shalt  }
0x47: {  	_ =	shalt  }
0x48: {  	_ =	shalt  }
0x49: {  	_ =	shalt  }
0x4a: {  	_ =	shalt  }
0x4b: {  	_ =	shalt  }
0x4c: {  	_ =	shalt  }
0x4d: {  	_ =	shalt  }
0x4e: {  	_ =	shalt  }
0x4f: {  	_ =	shalt  }
0x50: {  	_ =	shalt  }
0x51: {  	_ =	shalt  }
0x52: {  	_ =	shalt  }
0x53: {  	_ =	shalt  }
0x54: {  	_ =	shalt  }
0x55: {  	_ =	shalt  }
0x56: {  	_ =	shalt  }
0x57: {  	_ =	shalt  }
0x58: {  	_ =	shalt  }
0x59: {  	_ =	shalt  }
0x5a: {  	_ =	shalt  }
0x5b: {  	_ =	shalt  }
0x5c: {  	_ =	shalt  }
0x5d: {  	_ =	shalt  }
0x5e: {  	_ =	shalt  }
0x5f: {  	_ =	shalt  }
0x60: {  	_ =	shalt  }
0x61: {  	_ =	shalt  }
0x62: {  	_ =	shalt  }
0x63: {  	_ =	shalt  }
0x64: {  	_ =	shalt  }
0x65: {  	_ =	shalt  }
0x66: {  	_ =	shalt  }
0x67: {  	_ =	shalt  }
0x68: {  	_ =	shalt  }
0x69: {  	_ =	shalt  }
0x6a: {  	_ =	shalt  }
0x6b: {  	_ =	shalt  }
0x6c: {  	_ =	shalt  }
0x6d: {  	_ =	shalt  }
0x6e: {  	_ =	shalt  }
0x6f: {  	_ =	shalt  }
0x70: {  	_ =	shalt  }
0x71: {  	_ =	shalt  }
0x72: {  	_ =	shalt  }
0x73: {  	_ =	shalt  }
0x74: {  	_ =	shalt  }
0x75: {  	_ =	shalt  }
0x76: {  	_ =	shalt  }
0x77: {  	_ =	shalt  }
0x78: {  	_ =	shalt  }
0x79: {  	_ =	shalt  }
0x7a: {  	_ =	shalt  }
0x7b: {  	_ =	shalt  }
0x7c: {  	_ =	shalt  }
0x7d: {  	_ =	shalt  }
0x7e: {  	_ =	shalt  }
0x7f: {  	_ =	shalt  }
0x80: {  	_ =	shalt  }
0x81: {  	_ =	shalt  }
0x82: {  	_ =	shalt  }
0x83: {  	_ =	shalt  }
0x84: {  	_ =	shalt  }
0x85: {  	_ =	shalt  }
0x86: {  	_ =	shalt  }
0x87: {  	_ =	shalt  }
.Lfunc_end0:
.L_simem_size_0:
called_computation_lowered:
.L_overlay_start_0:
0x88: {  	s2 =	sld [smem:$0x3FD9]  }
0x89: {  	s3 =	sld [smem:$0x3FFE];
	_ =	sdelay $0x1  }
0x8a: {  	s1 =	srdreg.scid  }
0x8b: {  	s0 =	sand.u32 $0x1, s1  }
0x8c: {  	s14 =	sshll.u32 s0, $0xA;
	s2 =	sadd.s32 s3, s2  }
0x8d: {  	s2 =	sadd.s32 s2, s14  }
0x8e: {  	[smem:$0x3FC3] =	sst s2  }
0x8f: {  	_ = 	snop  }
0x90: {  	s2 =	sld [smem:$0x3FD0];
	_ =	sdelay $0x1  }
0x91: {  	s15 =	sld [smem:$0x3FC8]  }
0x92: {  	s5 =	simm.s32 $0xA;
	s6 =	simm.s32 $0x10;
	s4 =	sld [smem:$0x3FC6]  }
0x93: {  	[smem:s6], [sflag:s5] =	dma.local [hbm:s2], $0x1  }
0x94: {  	_ =	swait.eq [sflag:s5], $0x1  }
0x95: {  	[sflag:s5] =	ssyncset.done $0x0  }
0x96: {  	[sflag:s5] =	ssyncadd.s32 $0xFFFFFFFF  }
0x97: {  	s16 =	sld [smem:$0x11];
	(tm) =	ssettm $0x1  }
0x98: {  	s17 =	sld [smem:$0x3FFB];
	_ =	sdelay $0x3  }
0x99: {  	_ =	strace s17  }
0x9a: {  	s5 =	sld [smem:$0x3FFC];
	_ =	sdelay $0x3  }
0x9b: {  	_ =	strace s5  }
0x9c: {  	s5 =	sld [smem:$0x3FFD];
	_ =	sdelay $0x3  }
0x9d: {  	_ =	strace s5  }
0x9e: {  	_ =	strace $0x8FFFFFFF  }
0x9f: {  	s18 =	sld [smem:$0x3FDB];
	_ =	sdelay $0x1  }
0xa0: {  	s19 =	simm.s32 $_scs_section_size  }
0xa1: {  	s7 =	simm.s32 $_size__tile_overlayer_lowered;
	s8 =	simm.s32 $_tile_overlayer_lowered  }
0xa2: {  	s22 =	simm.s32 $0x1BFF;
	s21 =	sshll.u32 s8, $0x1;
	s5 =	sadd.s32 s19, s18  }
0xa3: {  	s9 =	simm.s32 $0x0;
	s20 =	sshll.u32 s7, $0x1;
	s7 =	sadd.s32 s21, s5  }
0xa4: {  	[timem:s9], [sflag:s22] =	dma.local [hbm:s7], s20  }
0xa5: {  	_ =	swait.ge [sflag:s22], s20  }
0xa6: {  	s6 =	ssub.s32 $0x0, s20;
	[sflag:s22] =	ssyncset.done $0x0  }
0xa7: {  	[sflag:s22] =	ssyncadd.s32 s6;
	_ =	sdelay $0x1  }
0xa8: {  	s23 =	simm.s32 $0x1B8B  }
0xa9: {  	_ =	swait.ge [sflag:s23], $0x1  }
0xaa: {  	[sflag:s23] =	ssyncset.done $0x0  }
0xab: {  	s25 =	simm.s32 $0x1B8E;
	s24 =	sld [smem:$0x3FFE];
	[sflag:s23] =	ssyncadd.s32 $0xFFFFFFFF  }
0xac: {  	s26 =	simm.s32 $execute0_lowered;
	[smem:$0x3FD2] =	sst s25  }
0xad: {  	s7 =	sshll.u32 s26, $0x1;
	_ =	strace $0x80000046;
	[dreg:$0x1] =	wrdreg $0xFFFFFFFF  }
0xae: {  	s28 =	simm.s32 $_size_execute0_lowered;
	s5 =	sadd.s32 s5, s7;
	[dreg:$0x0] =	wrdreg $0x0  }
0xaf: {  	s7 =	sshll.u32 s28, $0x1;
	[dreg:$0x2] =	wrdreg s5  }
0xb0: {  	[dreg:$0x3] =	wrdreg s7  }
0xb1: {  	[dreg:$0x4] =	wrdreg $0xC0  }
0xb2: {  	_ =	task [dreg:s9], $0x5FFFF  }
0xb3: {  	[dreg:$0x1] =	wrdreg $0xFFFFFFFF  }
0xb4: {  	[dreg:$0x0] =	wrdreg $0x60  }
0xb5: {  	[dreg:$0x2] =	wrdreg s16  }
0xb6: {  	[dreg:$0x3] =	wrdreg s15  }
0xb7: {  	[dreg:$0x4] =	wrdreg s4  }
0xb8: {  	[dreg:$0x5] =	wrdreg s24  }
0xb9: {  	[dreg:$0x6] =	wrdreg $0x9  }
0xba: {  	_ =	task.clear_ibuf [dreg:s9], $0x7FFFF;
	_ =	strace $0x90000046  }
0xbb: {  	s29 =	simm.s32 $0x9;
	_ =	strace $0x80000048  }
0xbc: {  	_ =	swait.ge [sflag:s29], $0x1  }
0xbd: {  	[sflag:s29] =	ssyncadd.s32 $0xFFFFFFFF  }
0xbe: {  	_ =	strace $0x90000048  }
0xbf: {  	_ =	sfence  }
0xc0: {  	s30 =	sld [smem:$0x0];
	_ =	sdelay $0x2  }
0xc1: {  	s31 =	sshll.u32 s1, $0xD;
	s1 =	sshrl.u32 s1, $0x2  }
0xc2: {  	s3 =	sand.u32 $0x4000, s31;
	s1 =	sadd.s32 s1, s30  }
0xc3: {  	s0 =	sor.u32 s3, s0;
	s1 =	sshll.u32 s1, $0x11  }
0xc4: {  	s0 =	sor.u32 s1, s0  }
0xc5: {  	s0 =	sadd.s32 $0x8F2B, s0  }
0xc6: {  	[sflag:s0] =	ssyncadd.remote.s32 $0x1  }
0xc7: {  	_ =	sfence.sel $0xFFFF  }
0xc8: {  	[dreg:$0x0] =	wrdreg $0xFFFFFFFF;
	(pc) =	sbr.abs _section_cstart, $3  }
0xc9: {  	[dreg:$0x1] =	wrdreg $0xFFFFFFFF  }
0xca: {  	_ =	task.clear_ibuf [dreg:s9], $0x2FFFF;
	_ =	strace $0x9FFFFFFF  }
0xcb: {  	(tm) =	ssettm $0x7FFFFFFF  }
tec
execute0_lowered:
.L_overlay_start_1:
0x0: {  	(tag) =	ssettag $0x1  }
0x1: {  	s16 =	rddreg [dreg:$0x0]  }
0x2: {  	s17 =	rddreg [dreg:$0x1]  }
0x3: {  	s4 =	rddreg [dreg:$0x2]  }
0x4: {  	s3 =	rddreg [dreg:$0x3]  }
0x5: {  	s2 =	simm.s32 $0x0;
	s5 =	srdreg.scid;
	s0 =	stileid.u32  }
0x6: {  	s20 =	simm.s32 $0x2;
	s22 =	simm.s32 $0x100;
	s23 =	simm.s32 $0x1  }
0x7: {  	s25 =	simm.s32 $0x0;
	[smem:$0x7FF] =	sst s2;
	s12 =	sand.u32 $0x1, s5  }
0x8: {  	s29 =	sshll.u32 s0, $0x1;
	s3 =	sadd.s32 $0x600, s3;
	s15 =	sshll.u32 s0, $0x16  }
0x9: {  	_ =	strace $0x80000047;
	s6 =	ssub.s32 $0x2, s12;
	s5 =	sor.u32 s12, s29  }
0xa: {  	s18 =	sshll.u32 s12, $0x15;
	s7 =	sshrl.u32 s6, $0x1;
	s8 =	sshll.u32 s5, $0xF  }
0xb: {  	s30 =	sshll.u32 s5, $0x12;
	s15 =	sor.u32 s18, s15;
	s14 =	ssub.s32 s6, s7  }
0xc: {  	s4 =	sadd.s32 s4, s8;
	s5 =	sadd.s32 s17, s30;
	s6 =	sadd.s32 s16, s30  }
0xd: {  	s18 =	sshrl.u32 s15, $0x3;
	s19 =	sor.u32 $0x8000, s15;
	s7 =	sadd.s32 $0x1000, s4  }
0xe: {  	s8 =	sadd.s32 $0x2000, s4;
	s9 =	sadd.s32 $0x3000, s4;
	s10 =	sadd.s32 $0x4000, s4  }
0xf: {  	s11 =	sadd.s32 $0x5000, s4;
	s12 =	sadd.s32 $0x6000, s4;
	s13 =	sadd.s32 $0x7000, s4  }
0x10: {  	v0 =	vlaneseq.u32;
	s14 =	smax.u32 s14, $0x1;
	s15 =	sadd.s32 $0xF000, s6;
	s31 =	sshrl.u32 s19, $0x3  }
0x11: {  	v1 =	vor.u32 $0xFFFFC000, v0;
	s16 =	sadd.s32 s18, s16;
	s19 =	simm.s32 $0x3;
	s17 =	sadd.s32 s31, s17  }
.LBB2_1:
0x12: {  	s0 =	simm.s32 $0x10100  }
0x13: {  	[tilespmem:s0], [sflag:$0x3] =	stream.linear.gather [hbm4b:s3+s2], $0x80, $0x38;
	[tilespmem:$0x10180] =	vst v63  }
0x14: {  	_ =	swait.ge [sflag:s19], $0x80  }
0x15: {  	s26 =	simm.s32 $0x0;
	[sflag:s19] =	ssyncset.done $0x0  }
0x16: {  	s28 =	sand.u32 $0x1, s23;
	s26 =	sand.u32 $0x1, s26;
	[sflag:s19] =	ssyncadd.s32 $0xFFFFFF80  }
0x17: {  	v2 =	vld [tilespmem:$0x10100];
	[tilespmem:s2], [sflag:$0x1] =	stream.linear.gather [hbm4b:s5+s2], $0x8000, $0x38  }
0x18: {  	s29 =	sshll.u32 s28, $0xF;
	s28 =	sadd.s32 $0x1, s28;
	s30 =	sadd.s32 $0x1, s26  }
0x19: {  	[tilespmem:s29], [sflag:s28] =	stream.linear.gather [hbm4b:s17+s2], $0x8000, $0x38;
	[tilespmem:$0x10180] =	vst v63  }
0x1a: {  	s24 =	simm.s32 $0x2;
	_ =	swait.ge [sflag:s30], $0x8000  }
0x1b: {  	s31 =	simm.s32 $0x1;
	s26 =	sshll.u32 s26, $0xF;
	[sflag:s30] =	ssyncset.done $0x0  }
0x1c: {  	s29 =	simm.s32 $0x3;
	s28 =	sadd.s32 $0x1000, s17;
	[sflag:s30] =	ssyncadd.s32 $0xFFFF8000  }
0x1d: {  	[hbm4b:s16+s2] =	stream.linear.scatter [tilespmem:s26], [sflag:$0x3], $0x8000, $0x38;
	[tilespmem:$0x10180] =	vst v63  }
0x1e: {  	s30 =	sand.u32 $0x1, s24;
	s26 =	sadd.s32 $0x1000, s16;
	_ =	swait.ge [sflag:s19], $0x8000  }
.LBB2_2:
0x1f: {  	s0 =	sand.u32 $0x1, s31;
	s31 =	sshll.u32 s30, $0xF;
	[sflag:s19] =	ssyncset.done $0x0  }
0x20: {  	s1 =	smov.u32 s29;
	s18 =	smov.u32 s26;
	s30 =	sadd.s32 $0x1, s30  }
0x21: {  	p0 =	sne.s32 s29, $0xF;
	s21 =	sadd.s32 $0x1, s0;
	[sflag:s19] =	ssyncadd.s32 $0xFFFF8000  }
0x22: {  	[tilespmem:s31], [sflag:s30] =	stream.linear.gather [hbm4b:s28+s2], $0x8000, $0x38;
	[tilespmem:$0x10180] =	vst v63  }
.Ltmp0:
0x23: {  	s24 =	sadd.s32 $0x1, s29;
	_ =	swait.ge [sflag:s21], $0x8000;
	(pc) =	sbr.rel @p0 .LBB2_2-.Ltmp0, $4  }
0x24: {  	s26 =	sadd.s32 $0x1000, s26;
	s0 =	sshll.u32 s0, $0xF;
	[sflag:s21] =	ssyncset.done $0x0  }
0x25: {  	s29 =	smov.u32 s24;
	s28 =	sadd.s32 $0x1000, s28;
	[sflag:s21] =	ssyncadd.s32 $0xFFFF8000  }
0x26: {  	[hbm4b:s18+s2] =	stream.linear.scatter [tilespmem:s0], [sflag:$0x3], $0x8000, $0x38;
	[tilespmem:$0x10180] =	vst v63  }
0x27: {  	s31 =	sadd.s32 $0xFFFFFFFF, s1;
	s30 =	sand.u32 $0x1, s1;
	_ =	swait.ge [sflag:s19], $0x8000  }
0x28: {  	s0 =	sand.u32 $0x1, s31;
	s1 =	sshll.u32 s30, $0xF;
	[sflag:s19] =	ssyncset.done $0x0  }
0x29: {  	s18 =	sadd.s32 $0x1, s30;
	s21 =	sadd.s32 $0x1, s0;
	[sflag:s19] =	ssyncadd.s32 $0xFFFF8000  }
0x2a: {  	[tilespmem:s1], [sflag:s18] =	stream.linear.gather [hbm4b:s28+s2], $0x8000, $0x38;
	[tilespmem:$0x10180] =	vst v63  }
0x2b: {  	_ =	swait.ge [sflag:s21], $0x8000  }
0x2c: {  	[sflag:s21] =	ssyncset.done $0x0  }
0x2d: {  	s0 =	sshll.u32 s0, $0xF;
	[sflag:s21] =	ssyncadd.s32 $0xFFFF8000  }
0x2e: {  	[hbm4b:s26+s2] =	stream.linear.scatter [tilespmem:s0], [sflag:$0x3], $0x8000, $0x38;
	[tilespmem:$0x10180] =	vst v63  }
0x2f: {  	_ =	swait.ge [sflag:s19], $0x8000  }
0x30: {  	[sflag:s19] =	ssyncset.done $0x0  }
0x31: {  	[sflag:s19] =	ssyncadd.s32 $0xFFFF8000  }
0x32: {  	s30 =	simm.s32 $0x0;
	_ =	swait.ge [sflag:s20], $0x8000  }
0x33: {  	v3 =	vadd.s32 s30, v2;
	[sflag:s20] =	ssyncset.done $0x0  }
0x34: {  	s31 =	simm.s32 $0x8000;
	v3 =	vbroadcast v3, $0x0;
	[sflag:s20] =	ssyncadd.s32 $0xFFFF8000  }
0x35: {  	[hbm4b:s15+s30] =	stream.linear.scatter [tilespmem:s31], [sflag:$0x3], $0x8000, $0x38;
	[tilespmem:$0x10180] =	vst v63  }
0x36: {  	v4 =	vadd.s32 v0, v3;
	_ =	swait.ge [sflag:s19], $0x8000  }
0x37: {  	v3 =	vadd.s32 v1, v3;
	vm0 =	vgt.s32 v4, $0x3FFF;
	[sflag:s19] =	ssyncset.done $0x0  }
0x38: {  	s28 =	simm.s32 $0x10;
	s26 =	simm.s32 $0x10000;
	v3 =	vsel vm0, v3, v4;
	[sflag:s19] =	ssyncadd.s32 $0xFFFF8000  }
.LBB2_4:
0x39: {  	v4 =	vadd.s32 s28, v2;
	p0 =	sne.s32 s28, $0xF0;
	s28 =	sadd.s32 $0x10, s28;
	[tilespmem:s26+$0x0] =	vst v3  }
.Ltmp1:
0x3a: {  	v3 =	vbroadcast v4, $0x0;
	(pc) =	sbr.rel @p0 .LBB2_4-.Ltmp1, $4  }
0x3b: {  	_ = 	snop  }
0x3c: {  	v4 =	vadd.s32 v0, v3  }
0x3d: {  	v3 =	vadd.s32 v1, v3;
	vm0 =	vgt.s32 v4, $0x3FFF  }
0x3e: {  	s26 =	sadd.s32 $0x10, s26;
	v3 =	vsel vm0, v3, v4  }
0x3f: {  	(v2sf) =	vpush v2, $0x0;
	_ =	sdelay $0xc  }
0x40: {  	[tilespmem:s26+$0x0] =	vst v3;
	s0 =	simm.s32 $0x0  }
0x41: {  	[tilespmem:s0], [sflag:$0x3] =	stream.linear.gather [hbm4b:s4+s0], $0x8000, $0x38;
	[tilespmem:$0x10180] =	vst v63  }
0x42: {  	s26 =	spop (v2sf)  }
0x43: {  	_ =	swait.ge [sflag:s19], $0x8000  }
0x44: {  	s29 =	sadd.s32 $0x100, s26;
	[sflag:s19] =	ssyncset.done $0x0  }
0x45: {  	s28 =	simm.s32 $0x10000;
	s31 =	sadd.s32 $0x0, s29;
	[sflag:s19] =	ssyncadd.s32 $0xFFFF8000  }
0x46: {  	[hbm4b:s6+s22] =	stream.indirect.scatter [tilespmem:s0], [sflag:$0x1], $0x80, s28, s22, $0xb8;
	[tilespmem:$0x10180] =	vst v63  }
0x47: {  	v2 =	vadd.s32 s31, v0;
	_ =	swait.ge [sflag:s23], $0x8000  }
0x48: {  	v3 =	vadd.s32 s31, v1;
	vm0 =	vgt.s32 v2, $0x3FFF;
	[sflag:s23] =	ssyncset.done $0x0  }
0x49: {  	v2 =	vsel vm0, v3, v2;
	[sflag:s23] =	ssyncadd.s32 $0xFFFF8000  }
0x4a: {  	s30 =	simm.s32 $0x10;
	[tilespmem:s28+$0x0] =	vst v2  }
.LBB2_6:
0x4b: {  	p0 =	sne.s32 s30, $0xF0  }
.Ltmp2:
0x4c: {  	s0 =	sadd.s32 s29, s30;
	s30 =	sadd.s32 $0x10, s30;
	(pc) =	sbr.rel @p0 .LBB2_6-.Ltmp2, $4  }
0x4d: {  	v2 =	vadd.s32 s0, v0  }
0x4e: {  	v3 =	vadd.s32 s0, v1;
	vm0 =	vgt.s32 v2, $0x3FFF  }
0x4f: {  	s28 =	sadd.s32 $0x10, s28;
	v2 =	vsel vm0, v3, v2  }
0x50: {  	[tilespmem:s28+$0x0] =	vst v2  }
0x51: {  	s0 =	simm.s32 $0x0  }
0x52: {  	[tilespmem:s0], [sflag:$0x3] =	stream.linear.gather [hbm4b:s7+s0], $0x8000, $0x38;
	[tilespmem:$0x10180] =	vst v63  }
0x53: {  	_ =	swait.ge [sflag:s19], $0x8000  }
0x54: {  	s29 =	sadd.s32 $0x200, s26;
	[sflag:s19] =	ssyncset.done $0x0  }
0x55: {  	s28 =	simm.s32 $0x10000;
	s31 =	sadd.s32 $0x0, s29;
	[sflag:s19] =	ssyncadd.s32 $0xFFFF8000  }
0x56: {  	[hbm4b:s6+s22] =	stream.indirect.scatter [tilespmem:s0], [sflag:$0x1], $0x80, s28, s22, $0xb8;
	[tilespmem:$0x10180] =	vst v63  }
0x57: {  	v2 =	vadd.s32 s31, v0;
	_ =	swait.ge [sflag:s23], $0x8000  }
0x58: {  	v3 =	vadd.s32 s31, v1;
	vm0 =	vgt.s32 v2, $0x3FFF;
	[sflag:s23] =	ssyncset.done $0x0  }
0x59: {  	v2 =	vsel vm0, v3, v2;
	[sflag:s23] =	ssyncadd.s32 $0xFFFF8000  }
0x5a: {  	s30 =	simm.s32 $0x10;
	[tilespmem:s28+$0x0] =	vst v2  }
.LBB2_8:
0x5b: {  	p0 =	sne.s32 s30, $0xF0  }
.Ltmp3:
0x5c: {  	s0 =	sadd.s32 s29, s30;
	s30 =	sadd.s32 $0x10, s30;
	(pc) =	sbr.rel @p0 .LBB2_8-.Ltmp3, $4  }
0x5d: {  	v2 =	vadd.s32 s0, v0  }
0x5e: {  	v3 =	vadd.s32 s0, v1;
	vm0 =	vgt.s32 v2, $0x3FFF  }
0x5f: {  	s28 =	sadd.s32 $0x10, s28;
	v2 =	vsel vm0, v3, v2  }
0x60: {  	[tilespmem:s28+$0x0] =	vst v2  }
0x61: {  	s0 =	simm.s32 $0x0  }
0x62: {  	[tilespmem:s0], [sflag:$0x3] =	stream.linear.gather [hbm4b:s8+s0], $0x8000, $0x38;
	[tilespmem:$0x10180] =	vst v63  }
0x63: {  	_ =	swait.ge [sflag:s19], $0x8000  }
0x64: {  	s29 =	sadd.s32 $0x300, s26;
	[sflag:s19] =	ssyncset.done $0x0  }
0x65: {  	s28 =	simm.s32 $0x10000;
	s31 =	sadd.s32 $0x0, s29;
	[sflag:s19] =	ssyncadd.s32 $0xFFFF8000  }
0x66: {  	[hbm4b:s6+s22] =	stream.indirect.scatter [tilespmem:s0], [sflag:$0x1], $0x80, s28, s22, $0xb8;
	[tilespmem:$0x10180] =	vst v63  }
0x67: {  	v2 =	vadd.s32 s31, v0;
	_ =	swait.ge [sflag:s23], $0x8000  }
0x68: {  	v3 =	vadd.s32 s31, v1;
	vm0 =	vgt.s32 v2, $0x3FFF;
	[sflag:s23] =	ssyncset.done $0x0  }
0x69: {  	v2 =	vsel vm0, v3, v2;
	[sflag:s23] =	ssyncadd.s32 $0xFFFF8000  }
0x6a: {  	s30 =	simm.s32 $0x10;
	[tilespmem:s28+$0x0] =	vst v2  }
.LBB2_10:
0x6b: {  	p0 =	sne.s32 s30, $0xF0  }
.Ltmp4:
0x6c: {  	s0 =	sadd.s32 s29, s30;
	s30 =	sadd.s32 $0x10, s30;
	(pc) =	sbr.rel @p0 .LBB2_10-.Ltmp4, $4  }
0x6d: {  	v2 =	vadd.s32 s0, v0  }
0x6e: {  	v3 =	vadd.s32 s0, v1;
	vm0 =	vgt.s32 v2, $0x3FFF  }
0x6f: {  	s28 =	sadd.s32 $0x10, s28;
	v2 =	vsel vm0, v3, v2  }
0x70: {  	[tilespmem:s28+$0x0] =	vst v2  }
0x71: {  	s0 =	simm.s32 $0x0  }
0x72: {  	[tilespmem:s0], [sflag:$0x3] =	stream.linear.gather [hbm4b:s9+s0], $0x8000, $0x38;
	[tilespmem:$0x10180] =	vst v63  }
0x73: {  	_ =	swait.ge [sflag:s19], $0x8000  }
0x74: {  	s29 =	sadd.s32 $0x400, s26;
	[sflag:s19] =	ssyncset.done $0x0  }
0x75: {  	s28 =	simm.s32 $0x10000;
	s31 =	sadd.s32 $0x0, s29;
	[sflag:s19] =	ssyncadd.s32 $0xFFFF8000  }
0x76: {  	[hbm4b:s6+s22] =	stream.indirect.scatter [tilespmem:s0], [sflag:$0x1], $0x80, s28, s22, $0xb8;
	[tilespmem:$0x10180] =	vst v63  }
0x77: {  	v2 =	vadd.s32 s31, v0;
	_ =	swait.ge [sflag:s23], $0x8000  }
0x78: {  	v3 =	vadd.s32 s31, v1;
	vm0 =	vgt.s32 v2, $0x3FFF;
	[sflag:s23] =	ssyncset.done $0x0  }
0x79: {  	v2 =	vsel vm0, v3, v2;
	[sflag:s23] =	ssyncadd.s32 $0xFFFF8000  }
0x7a: {  	s30 =	simm.s32 $0x10;
	[tilespmem:s28+$0x0] =	vst v2  }
.LBB2_12:
0x7b: {  	p0 =	sne.s32 s30, $0xF0  }
.Ltmp5:
0x7c: {  	s0 =	sadd.s32 s29, s30;
	s30 =	sadd.s32 $0x10, s30;
	(pc) =	sbr.rel @p0 .LBB2_12-.Ltmp5, $4  }
0x7d: {  	v2 =	vadd.s32 s0, v0  }
0x7e: {  	v3 =	vadd.s32 s0, v1;
	vm0 =	vgt.s32 v2, $0x3FFF  }
0x7f: {  	s28 =	sadd.s32 $0x10, s28;
	v2 =	vsel vm0, v3, v2  }
0x80: {  	[tilespmem:s28+$0x0] =	vst v2  }
0x81: {  	s0 =	simm.s32 $0x0  }
0x82: {  	[tilespmem:s0], [sflag:$0x3] =	stream.linear.gather [hbm4b:s10+s0], $0x8000, $0x38;
	[tilespmem:$0x10180] =	vst v63  }
0x83: {  	_ =	swait.ge [sflag:s19], $0x8000  }
0x84: {  	s29 =	sadd.s32 $0x500, s26;
	[sflag:s19] =	ssyncset.done $0x0  }
0x85: {  	s28 =	simm.s32 $0x10000;
	s31 =	sadd.s32 $0x0, s29;
	[sflag:s19] =	ssyncadd.s32 $0xFFFF8000  }
0x86: {  	[hbm4b:s6+s22] =	stream.indirect.scatter [tilespmem:s0], [sflag:$0x1], $0x80, s28, s22, $0xb8;
	[tilespmem:$0x10180] =	vst v63  }
0x87: {  	v2 =	vadd.s32 s31, v0;
	_ =	swait.ge [sflag:s23], $0x8000  }
0x88: {  	v3 =	vadd.s32 s31, v1;
	vm0 =	vgt.s32 v2, $0x3FFF;
	[sflag:s23] =	ssyncset.done $0x0  }
0x89: {  	v2 =	vsel vm0, v3, v2;
	[sflag:s23] =	ssyncadd.s32 $0xFFFF8000  }
0x8a: {  	s30 =	simm.s32 $0x10;
	[tilespmem:s28+$0x0] =	vst v2  }
.LBB2_14:
0x8b: {  	p0 =	sne.s32 s30, $0xF0  }
.Ltmp6:
0x8c: {  	s0 =	sadd.s32 s29, s30;
	s30 =	sadd.s32 $0x10, s30;
	(pc) =	sbr.rel @p0 .LBB2_14-.Ltmp6, $4  }
0x8d: {  	v2 =	vadd.s32 s0, v0  }
0x8e: {  	v3 =	vadd.s32 s0, v1;
	vm0 =	vgt.s32 v2, $0x3FFF  }
0x8f: {  	s28 =	sadd.s32 $0x10, s28;
	v2 =	vsel vm0, v3, v2  }
0x90: {  	[tilespmem:s28+$0x0] =	vst v2  }
0x91: {  	s0 =	simm.s32 $0x0  }
0x92: {  	[tilespmem:s0], [sflag:$0x3] =	stream.linear.gather [hbm4b:s11+s0], $0x8000, $0x38;
	[tilespmem:$0x10180] =	vst v63  }
0x93: {  	_ =	swait.ge [sflag:s19], $0x8000  }
0x94: {  	s29 =	sadd.s32 $0x600, s26;
	[sflag:s19] =	ssyncset.done $0x0  }
0x95: {  	s28 =	simm.s32 $0x10000;
	s31 =	sadd.s32 $0x0, s29;
	[sflag:s19] =	ssyncadd.s32 $0xFFFF8000  }
0x96: {  	[hbm4b:s6+s22] =	stream.indirect.scatter [tilespmem:s0], [sflag:$0x1], $0x80, s28, s22, $0xb8;
	[tilespmem:$0x10180] =	vst v63  }
0x97: {  	v2 =	vadd.s32 s31, v0;
	_ =	swait.ge [sflag:s23], $0x8000  }
0x98: {  	v3 =	vadd.s32 s31, v1;
	vm0 =	vgt.s32 v2, $0x3FFF;
	[sflag:s23] =	ssyncset.done $0x0  }
0x99: {  	v2 =	vsel vm0, v3, v2;
	[sflag:s23] =	ssyncadd.s32 $0xFFFF8000  }
0x9a: {  	s30 =	simm.s32 $0x10;
	[tilespmem:s28+$0x0] =	vst v2  }
.LBB2_16:
0x9b: {  	p0 =	sne.s32 s30, $0xF0  }
.Ltmp7:
0x9c: {  	s0 =	sadd.s32 s29, s30;
	s30 =	sadd.s32 $0x10, s30;
	(pc) =	sbr.rel @p0 .LBB2_16-.Ltmp7, $4  }
0x9d: {  	v2 =	vadd.s32 s0, v0  }
0x9e: {  	v3 =	vadd.s32 s0, v1;
	vm0 =	vgt.s32 v2, $0x3FFF  }
0x9f: {  	s28 =	sadd.s32 $0x10, s28;
	v2 =	vsel vm0, v3, v2  }
0xa0: {  	[tilespmem:s28+$0x0] =	vst v2  }
0xa1: {  	s0 =	simm.s32 $0x0  }
0xa2: {  	[tilespmem:s0], [sflag:$0x3] =	stream.linear.gather [hbm4b:s12+s0], $0x8000, $0x38;
	[tilespmem:$0x10180] =	vst v63  }
0xa3: {  	_ =	swait.ge [sflag:s19], $0x8000  }
0xa4: {  	s26 =	sadd.s32 $0x700, s26;
	[sflag:s19] =	ssyncset.done $0x0  }
0xa5: {  	s28 =	simm.s32 $0x10000;
	s31 =	sadd.s32 $0x0, s26;
	[sflag:s19] =	ssyncadd.s32 $0xFFFF8000  }
0xa6: {  	[hbm4b:s6+s22] =	stream.indirect.scatter [tilespmem:s0], [sflag:$0x1], $0x80, s28, s22, $0xb8;
	[tilespmem:$0x10180] =	vst v63  }
0xa7: {  	v2 =	vadd.s32 s31, v0;
	_ =	swait.ge [sflag:s23], $0x8000  }
0xa8: {  	v3 =	vadd.s32 s31, v1;
	vm0 =	vgt.s32 v2, $0x3FFF;
	[sflag:s23] =	ssyncset.done $0x0  }
0xa9: {  	v2 =	vsel vm0, v3, v2;
	[sflag:s23] =	ssyncadd.s32 $0xFFFF8000  }
0xaa: {  	s29 =	simm.s32 $0x10;
	[tilespmem:s28+$0x0] =	vst v2  }
.LBB2_18:
0xab: {  	p0 =	sne.s32 s29, $0xF0  }
.Ltmp8:
0xac: {  	s0 =	sadd.s32 s26, s29;
	s29 =	sadd.s32 $0x10, s29;
	(pc) =	sbr.rel @p0 .LBB2_18-.Ltmp8, $4  }
0xad: {  	v2 =	vadd.s32 s0, v0  }
0xae: {  	v3 =	vadd.s32 s0, v1;
	vm0 =	vgt.s32 v2, $0x3FFF  }
0xaf: {  	s28 =	sadd.s32 $0x10, s28;
	v2 =	vsel vm0, v3, v2  }
0xb0: {  	[tilespmem:s28+$0x0] =	vst v2  }
0xb1: {  	[tilespmem:s2], [sflag:$0x3] =	stream.linear.gather [hbm4b:s13+s2], $0x8000, $0x38;
	[tilespmem:$0x10180] =	vst v63  }
0xb2: {  	s25 =	sadd.s32 $0x1, s25;
	_ =	swait.ge [sflag:s19], $0x8000  }
0xb3: {  	p0 =	sne.s32 s25, s14;
	[sflag:s19] =	ssyncset.done $0x0  }
.Ltmp9:
0xb4: {  	s0 =	simm.s32 $0x10000;
	[sflag:s19] =	ssyncadd.s32 $0xFFFF8000;
	(pc) =	sbr.rel @p0 .LBB2_1-.Ltmp9, $4  }
0xb5: {  	[hbm4b:s6+s22] =	stream.indirect.scatter [tilespmem:s2], [sflag:$0x1], $0x80, s0, s22, $0xb8;
	[tilespmem:$0x10180] =	vst v63  }
0xb6: {  	_ =	swait.ge [sflag:s23], $0x8000  }
0xb7: {  	[sflag:s23] =	ssyncset.done $0x0  }
0xb8: {  	[sflag:s23] =	ssyncadd.s32 $0xFFFF8000  }
0xb9: {  	_ =	sfence.sel $0x180000  }
0xba: {  	[bflag:$0x0] =	sbarrier.arrive $0xFFFF  }
0xbb: {  	_ =	strace $0x90000047  }
0xbc: {  	s0 =	stileid.u32;
	[bflag:$0x2] =	sbarrier.arrive $0xFFFF  }
0xbd: {  	p0 =	sne.s32 s0, $0x0;
	s0 =	rddreg [dreg:$0x4]  }
0xbe: {  	s0 =	sadd.s32 @!p0 $0x100000, s0  }
0xbf: {  	[sflag:s0] =	ssyncadd.tile.s32 @!p0 $0x1;
	_ =	shalt  }
.Lfunc_end2:
_tile_overlayer_lowered:
.L_overlay_start_2:
0xc0: {  	(tag) =	ssettag $0x2  }
0xc1: {  	s0 =	rddreg [dreg:$0x0];
	s2 =	stileid.u32  }
0xc2: {  	s1 =	rddreg [dreg:$0x1];
	p0 =	sne.s32 s2, $0x0  }
0xc3: {  	s3 =	rddreg [dreg:$0x2];
	[bflag:$0x3] =	sbarrier.arrive $0xFFFF;
	s2 =	simm.s32 @!p0 $0x1C03  }
0xc4: {  	[timem:s3], [sflag:s2] =	dma.local @!p0 [hbm:s0], s1  }
0xc5: {  	s0 =	simm.s32 @!p0 $0x3  }
0xc6: {  	_ =	swait.ge @!p0 [sflag:s0], s1  }
0xc7: {  	s1 =	ssub.s32 @!p0 $0x0, s1;
	[sflag:s0] =	ssyncset.done @!p0 $0x0  }
0xc8: {  	[sflag:s0] =	ssyncadd.s32 @!p0 s1  }
0xc9: {  	[bflag:$0x3] =	sbarrier.arrive $0xFFFF  }
0xca: {  	_ =	shalt  }

</sc_bundles>
